<compile_context>
chip_gen: v7x
topology: tpu7x:2x2x1
jax: 0.10.2.dev20260603
libtpu: 0.0.44.dev20260713+nightly
codegen_flags: <defaults>
</compile_context>

<pallas_src>
import functools

import jax
import jax.numpy as jnp
from jax.experimental import pallas as pl
from jax.experimental.pallas import tpu as pltpu
from jax.experimental.pallas import tpu_sc as plsc

T = 2048
H = 1024
I = 512
E = 8
ROUTED_SCALE = 2.5

BR = 256
NTILES = T * 2 // BR + E
CAP = NTILES * BR
BT = 256

NW = 32
TPW = T // NW


HP = H // 2


def _pack_bf16_pair(lo_f32, hi_f32):
    def bits(v):
        r = jax.lax.bitcast_convert_type(v, jnp.int32)
        lsb = jax.lax.shift_right_logical(r, 16) & 1
        return jax.lax.shift_right_logical(r + 0x7FFF + lsb, 16)
    return jax.lax.shift_left(bits(hi_f32), 16) | bits(lo_f32)


def _unpack_bf16_pair(pk):
    lo = jax.lax.bitcast_convert_type(jax.lax.shift_left(pk, 16), jnp.float32)
    hi = jax.lax.bitcast_convert_type(
        jax.lax.shift_left(jax.lax.shift_right_arithmetic(pk, 16), 16),
        jnp.float32)
    return lo, hi


def _router_body(x_ref, gate_ref, pos_ref, wts_ref, te_ref, xpk_ref):
    lane8 = jax.lax.broadcasted_iota(jnp.int32, (T, E), 1)
    xb = x_ref[...].astype(jnp.bfloat16)
    logits = jax.lax.dot_general(
        xb, gate_ref[...].astype(jnp.bfloat16), (((1,), (1,)), ((), ())),
        preferred_element_type=jnp.float32)
    m = jnp.max(logits, axis=1, keepdims=True)
    ex = jnp.exp(logits - m)
    scores = ex / jnp.sum(ex, axis=1, keepdims=True)
    neg = jnp.float32(-1e30)
    m0 = jnp.max(jnp.where(lane8 < 4, scores, neg), axis=1, keepdims=True)
    m1 = jnp.max(jnp.where(lane8 >= 4, scores, neg), axis=1, keepdims=True)
    low_f = jnp.where(lane8 < 4, 1.0, 0.0)
    pick_low = jnp.where(m0 >= m1, 1.0, 0.0)
    gmask = pick_low * low_f + (1.0 - pick_low) * (1.0 - low_f)
    ms = scores * gmask
    v1 = jnp.max(ms, axis=1, keepdims=True)
    i1 = jnp.min(jnp.where(ms == v1, lane8, E), axis=1, keepdims=True)
    ms2 = jnp.where(lane8 == i1, -1.0, ms)
    v2 = jnp.max(ms2, axis=1, keepdims=True)
    i2 = jnp.min(jnp.where(ms2 == v2, lane8, E), axis=1, keepdims=True)
    denom = v1 + v2 + 1e-20
    wts_ref[:, 0:1] = v1 / denom * ROUTED_SCALE
    wts_ref[:, 1:2] = v2 / denom * ROUTED_SCALE

    oh = (jnp.where(lane8 == i1, 1.0, 0.0)
          + jnp.where(lane8 == i2, 1.0, 0.0))
    cum = oh
    s = 1
    while s < T:
        cum = cum + jnp.concatenate(
            [jnp.zeros((s, E), jnp.float32), cum[:T - s, :]], axis=0)
        s *= 2
    rank = cum - oh
    counts = jnp.max(cum, axis=0, keepdims=True)

    ntiles = jnp.floor((counts + (BR - 1)) * (1.0 / BR))
    inc = ntiles
    s = 1
    while s < E:
        inc = inc + jnp.concatenate(
            [jnp.zeros((1, s), jnp.float32), inc[:, :E - s]], axis=1)
        s *= 2
    toff = inc - ntiles

    dest = toff * BR + rank
    p1 = jnp.sum(jnp.where(lane8 == i1, dest, 0.0), axis=1, keepdims=True)
    p2 = jnp.sum(jnp.where(lane8 == i2, dest, 0.0), axis=1, keepdims=True)
    pos_ref[:, 0:1] = p1.astype(jnp.int32)
    pos_ref[:, 1:2] = p2.astype(jnp.int32)

    tile_end = toff + ntiles
    eye = jnp.where(
        jax.lax.broadcasted_iota(jnp.int32, (E, E), 0)
        == jax.lax.broadcasted_iota(jnp.int32, (E, E), 1), 1.0, 0.0)
    te_col = jnp.sum(tile_end * eye, axis=1, keepdims=True)
    ti = jax.lax.broadcasted_iota(
        jnp.int32, (E, NTILES), 1).astype(jnp.float32)
    past = jnp.where(ti >= te_col, 1.0, 0.0)
    te = jnp.sum(past, axis=0, keepdims=True)
    te_ref[0:1, :] = jnp.minimum(te, E - 1).astype(jnp.int32)
    total = jnp.max(tile_end)
    tidx = jax.lax.broadcasted_iota(
        jnp.int32, (1, NTILES), 1).astype(jnp.float32)
    te_ref[1:2, :] = jnp.where(tidx < total, 1, 0).astype(jnp.int32)

    xf = x_ref[...]
    xpk_ref[...] = _pack_bf16_pair(xf[:, :HP], xf[:, HP:])


def _router(x, gate_w):
    return pl.pallas_call(
        _router_body,
        out_shape=[
            jax.ShapeDtypeStruct((T, 2), jnp.int32),
            jax.ShapeDtypeStruct((T, 2), jnp.float32),
            jax.ShapeDtypeStruct((2, NTILES), jnp.int32),
            jax.ShapeDtypeStruct((T, HP), jnp.int32),
        ],
    )(x, gate_w)


def _dispatch(x, pos_t):
    mesh = plsc.VectorSubcoreMesh(core_axis_name="c", subcore_axis_name="s")

    @functools.partial(
        pl.kernel, mesh=mesh,
        out_type=jax.ShapeDtypeStruct((CAP, HP), jnp.int32),
        scratch_types=[
            pltpu.VMEM((TPW,), jnp.int32),
            pltpu.VMEM((TPW, HP), jnp.int32),
            pltpu.SemaphoreType.DMA,
        ],
    )
    def k(x_hbm, pos_hbm, xs_hbm, idx_v, rows_v, sem):
        wid = jax.lax.axis_index("s") * 2 + jax.lax.axis_index("c")
        base = wid * TPW
        pltpu.sync_copy(x_hbm.at[pl.ds(base, TPW), :], rows_v)
        pltpu.sync_copy(pos_hbm.at[0, pl.ds(base, TPW)], idx_v)
        pltpu.async_copy(rows_v, xs_hbm.at[idx_v], sem).wait()
        pltpu.sync_copy(pos_hbm.at[1, pl.ds(base, TPW)], idx_v)
        pltpu.async_copy(rows_v, xs_hbm.at[idx_v], sem).wait()

    return k(x, pos_t)


def _gmm_body(te_ref, xs_ref, wgu_ref, wd_ref, out_ref):
    @pl.when(te_ref[1, pl.program_id(0)] == 1)
    def _():
        xlo, xhi = _unpack_bf16_pair(xs_ref[...])
        xrow = jnp.concatenate([xlo, xhi], axis=1).astype(jnp.bfloat16)
        gu = jax.lax.dot_general(
            xrow, wgu_ref[0].astype(jnp.bfloat16),
            (((1,), (1,)), ((), ())),
            preferred_element_type=jnp.float32)
        g = gu[:, :I]
        u = gu[:, I:]
        act = (g * jax.nn.sigmoid(g) * u).astype(jnp.bfloat16)
        orow = jax.lax.dot_general(
            act, wd_ref[0].astype(jnp.bfloat16), (((1,), (1,)), ((), ())),
            preferred_element_type=jnp.float32)
        out_ref[...] = _pack_bf16_pair(orow[:, :HP], orow[:, HP:])


def _gmm(te, xs, wgu, wd):
    return pl.pallas_call(
        _gmm_body,
        grid_spec=pltpu.PrefetchScalarGridSpec(
            num_scalar_prefetch=1,
            grid=(NTILES,),
            in_specs=[
                pl.BlockSpec((BR, HP), lambda i, te: (i, 0)),
                pl.BlockSpec((1, 2 * I, H), lambda i, te: (te[0, i], 0, 0)),
                pl.BlockSpec((1, H, I), lambda i, te: (te[0, i], 0, 0)),
            ],
            out_specs=pl.BlockSpec((BR, HP), lambda i, te: (i, 0)),
        ),
        out_shape=jax.ShapeDtypeStruct((CAP, HP), jnp.int32),
        compiler_params=pltpu.CompilerParams(
            dimension_semantics=("arbitrary",)),
    )(te, xs, wgu, wd)


def _combine_gather(rows, pos_t):
    mesh = plsc.VectorSubcoreMesh(core_axis_name="c", subcore_axis_name="s")

    @functools.partial(
        pl.kernel, mesh=mesh,
        out_type=jax.ShapeDtypeStruct((2, T, HP), jnp.int32),
        scratch_types=[
            pltpu.VMEM((TPW,), jnp.int32),
            pltpu.VMEM((TPW, HP), jnp.int32),
            pltpu.SemaphoreType.DMA,
        ],
    )
    def k(rows_hbm, pos_hbm, g_hbm, idx_v, buf_v, sem):
        wid = jax.lax.axis_index("s") * 2 + jax.lax.axis_index("c")
        base = wid * TPW
        pltpu.sync_copy(pos_hbm.at[0, pl.ds(base, TPW)], idx_v)
        pltpu.async_copy(rows_hbm.at[idx_v], buf_v, sem).wait()
        pltpu.sync_copy(buf_v, g_hbm.at[0, pl.ds(base, TPW), :])
        pltpu.sync_copy(pos_hbm.at[1, pl.ds(base, TPW)], idx_v)
        pltpu.async_copy(rows_hbm.at[idx_v], buf_v, sem).wait()
        pltpu.sync_copy(buf_v, g_hbm.at[1, pl.ds(base, TPW), :])

    return k(rows, pos_t)


def _final_body(x_ref, sgu_ref, sdn_ref, g_ref, wts_ref, out_ref):
    sgu = jax.lax.dot_general(
        x_ref[...].astype(jnp.bfloat16), sgu_ref[...].astype(jnp.bfloat16),
        (((1,), (1,)), ((), ())),
        preferred_element_type=jnp.float32)
    half = sgu.shape[1] // 2
    sg = sgu[:, :half]
    su = sgu[:, half:]
    sact = (sg * jax.nn.sigmoid(sg) * su).astype(jnp.bfloat16)
    shared = jax.lax.dot_general(
        sact, sdn_ref[...].astype(jnp.bfloat16), (((1,), (1,)), ((), ())),
        preferred_element_type=jnp.float32)
    g0lo, g0hi = _unpack_bf16_pair(g_ref[0])
    g1lo, g1hi = _unpack_bf16_pair(g_ref[1])
    g0 = jnp.concatenate([g0lo, g0hi], axis=1)
    g1 = jnp.concatenate([g1lo, g1hi], axis=1)
    out_ref[...] = (shared
                    + wts_ref[:, 0:1] * g0
                    + wts_ref[:, 1:2] * g1)


def _final(x, sgu, sdn, g, wts):
    nt = T // BT
    return pl.pallas_call(
        _final_body,
        grid=(nt,),
        in_specs=[
            pl.BlockSpec((BT, H), lambda t: (t, 0)),
            pl.BlockSpec(sgu.shape, lambda t: (0, 0)),
            pl.BlockSpec(sdn.shape, lambda t: (0, 0)),
            pl.BlockSpec((2, BT, HP), lambda t: (0, t, 0)),
            pl.BlockSpec((BT, 2), lambda t: (t, 0)),
        ],
        out_specs=pl.BlockSpec((BT, H), lambda t: (t, 0)),
        out_shape=jax.ShapeDtypeStruct((T, H), jnp.float32),
        compiler_params=pltpu.CompilerParams(
            dimension_semantics=("arbitrary",)),
    )(x, sgu, sdn, g, wts)


def kernel(hidden_states, gate_w, experts_gate_up, experts_down,
           shared_gate_up, shared_down):
    x = hidden_states
    wgu = experts_gate_up
    wd = experts_down
    sgu = shared_gate_up
    sdn = shared_down

    pos, wts, te, xpk = _router(x, gate_w)
    pos_t = pos.T
    xs = _dispatch(xpk, pos_t)
    rows = _gmm(te, xs, wgu, wd)
    g = _combine_gather(rows, pos_t)
    return _final(x, sgu, sdn, g, wts)

# --- scband reference (transcript-rebuilt; emitter-appended) ---
"""Pipeline reference for scband-deepseek-v2-mo-e-61220463837454 (READ-ONLY COPY).

The authoritative reference and input builder live on the scoring server;
editing this copy changes nothing except your own understanding.
"""

import jax, jax.numpy as jnp
import numpy as np

T = 2048
H = 1024
I = 512
E = 8
TOP_K = 2
N_GROUP = 2
TOPK_GROUP = 1
N_SHARED = 2
ROUTED_SCALE = 2.5
RENORM = True


def setup_inputs(seed: int = 0) -> dict:
    key = jax.random.key(seed)
    ks = jax.random.split(key, 6)
    hidden_states = jax.random.normal(ks[0], (T, H), dtype=jnp.float32)
    gate_w = jax.random.normal(ks[1], (E, H), dtype=jnp.float32) * 0.02
    experts_gate_up = jax.random.normal(ks[2], (E, 2 * I, H), dtype=jnp.float32) * 0.02
    experts_down = jax.random.normal(ks[3], (E, H, I), dtype=jnp.float32) * 0.02
    shared_gate_up = jax.random.normal(ks[4], (2 * I * N_SHARED, H), dtype=jnp.float32) * 0.02
    shared_down = jax.random.normal(ks[5], (H, I * N_SHARED), dtype=jnp.float32) * 0.02
    return {
        "hidden_states": hidden_states,
        "gate_w": gate_w,
        "experts_gate_up": experts_gate_up,
        "experts_down": experts_down,
        "shared_gate_up": shared_gate_up,
        "shared_down": shared_down,
    }


def _grouped_topk(scores):
    # scores: [T, E] softmax probs
    t, e = scores.shape
    group_scores = scores.reshape(t, N_GROUP, e // N_GROUP).max(axis=-1)  # [T, G]
    _, group_idx = jax.lax.top_k(group_scores, TOPK_GROUP)  # [T, topk_group]
    group_mask = jax.nn.one_hot(group_idx, N_GROUP, dtype=scores.dtype).sum(axis=1)  # [T, G]
    expert_mask = jnp.repeat(group_mask, e // N_GROUP, axis=1)  # [T, E]
    masked_scores = jnp.where(expert_mask > 0, scores, 0.0)
    topk_w, topk_idx = jax.lax.top_k(masked_scores, TOP_K)  # [T, top_k]
    if RENORM:
        topk_w = topk_w / (topk_w.sum(axis=-1, keepdims=True) + 1e-20)
    return topk_w, topk_idx


def reference(hidden_states, gate_w, experts_gate_up, experts_down, shared_gate_up, shared_down):
    x = hidden_states
    # ---- MoEGate: logits = F.linear(x, weight) ----
    logits = x @ gate_w.T  # [T, E]
    scores = jax.nn.softmax(logits, axis=-1)
    # ---- grouped top-k routing ----
    topk_w, topk_idx = _grouped_topk(scores)
    # combine weights per expert: [T, E]
    combine = (jax.nn.one_hot(topk_idx, E, dtype=x.dtype) * topk_w[..., None]).sum(axis=1)
    # ---- routed experts: SwiGLU MLPs ----
    gu = jnp.einsum('td,eid->eti', x, experts_gate_up)  # [E, T, 2I]
    g, u = jnp.split(gu, 2, axis=-1)
    act = jax.nn.silu(g) * u  # npu_swiglu (activate_left=True)
    eout = jnp.einsum('eti,ehi->eth', act, experts_down)  # [E, T, H]
    routed = jnp.einsum('te,eth->th', combine, eout) * ROUTED_SCALE
    # ---- shared experts: DeepseekV2MLP with intermediate = I * n_shared ----
    sgu = x @ shared_gate_up.T  # [T, 2*I*N_SHARED]
    sg, su = jnp.split(sgu, 2, axis=-1)
    sact = jax.nn.silu(sg) * su
    shared = sact @ shared_down.T  # [T, H]
    return routed + shared


if False:  # reference __main__ guard neutralized (emitter)
    out = reference(**setup_inputs())
    print(out.shape, out.dtype)

if __name__ == "__main__":
    import jax
    _d = setup_inputs()
    print(jax.jit(kernel)(*tuple(_d.values())))

</pallas_src>

<mosaic_0001>
#map = affine_map<(d0, d1) -> (0, 0)>
#map1 = affine_map<(d0, d1) -> (0, 0, 0)>
module attributes {stable_mosaic.version = 14 : i64} {
  func.func @k(%arg0: i32, %arg1: i32, %arg2: memref<6144x512xi32, #tpu.memory_space<hbm>>, %arg3: memref<2x2048xi32, #tpu.memory_space<hbm>>, %arg4: memref<2x2048x512xi32, #tpu.memory_space<hbm>>, %arg5: memref<64xi32, #tpu.memory_space<vmem>>, %arg6: memref<64x512xi32, #tpu.memory_space<vmem>>, %arg7: memref<!tpu.dma_semaphore, #tpu.memory_space<semaphore_mem>>) attributes {dimension_semantics = [#tpu.dimension_semantics<core_parallel>, #tpu.dimension_semantics<subcore_parallel>], iteration_bounds = array<i64: 2, 16>, scalar_prefetch = 0 : i64, scratch_operands = 3 : i64, tpu.core_type = #tpu.core_type<sc_vector_subcore>, window_params = [{transform_indices = #map}, {transform_indices = #map}, {transform_indices = #map1}]} {
    %mul3A = arith.constant 2 : i32
    %mul3A_0 = arith.muli %arg1, %mul3A : i32
    %add3A = arith.addi %mul3A_0, %arg0 : i32
    %mul3A_1 = arith.constant 64 : i32
    %mul3A_2 = arith.muli %add3A, %mul3A_1 : i32
    %run_scoped3A = arith.constant 0 : i32
    "tpu.region"() ({
      %run_scoped3A_16 = tpu.sem_alloc : memref<!tpu.dma_semaphore, #tpu.memory_space<semaphore_mem>>
      %dma_start3A_17 = tpu.memref_slice %arg3[%run_scoped3A, %mul3A_2] : memref<2x2048xi32, #tpu.memory_space<hbm>> -> memref<1x64xi32, #tpu.memory_space<hbm>>
      %dma_start3A_18 = tpu.memref_squeeze %dma_start3A_17 : memref<1x64xi32, #tpu.memory_space<hbm>> -> memref<64xi32, #tpu.memory_space<hbm>>
      %dma_start3A_19 = tpu.memref_slice %arg3[%run_scoped3A, %mul3A_2] : memref<2x2048xi32, #tpu.memory_space<hbm>> -> memref<1x64xi32, #tpu.memory_space<hbm>>
      %dma_start3A_20 = tpu.memref_squeeze %dma_start3A_19 : memref<1x64xi32, #tpu.memory_space<hbm>> -> memref<64xi32, #tpu.memory_space<hbm>>
      tpu.enqueue_dma source(%dma_start3A_20 : memref<64xi32, #tpu.memory_space<hbm>>) target(%arg5 : memref<64xi32, #tpu.memory_space<vmem>>) target_semaphore(%run_scoped3A_16 : memref<!tpu.dma_semaphore, #tpu.memory_space<semaphore_mem>>)
      %dma_wait3A_21 = tpu.memref_slice %arg3[%run_scoped3A, %mul3A_2] : memref<2x2048xi32, #tpu.memory_space<hbm>> -> memref<1x64xi32, #tpu.memory_space<hbm>>
      %dma_wait3A_22 = tpu.memref_squeeze %dma_wait3A_21 : memref<1x64xi32, #tpu.memory_space<hbm>> -> memref<64xi32, #tpu.memory_space<hbm>>
      %dma_wait3A_23 = tpu.memref_slice %arg3[%run_scoped3A, %mul3A_2] : memref<2x2048xi32, #tpu.memory_space<hbm>> -> memref<1x64xi32, #tpu.memory_space<hbm>>
      %dma_wait3A_24 = tpu.memref_squeeze %dma_wait3A_23 : memref<1x64xi32, #tpu.memory_space<hbm>> -> memref<64xi32, #tpu.memory_space<hbm>>
      tpu.wait_dma2 semaphore(%run_scoped3A_16 : memref<!tpu.dma_semaphore, #tpu.memory_space<semaphore_mem>>) src(%dma_wait3A_24 : memref<64xi32, #tpu.memory_space<hbm>>) dst(%arg5 : memref<64xi32, #tpu.memory_space<vmem>>)
      tpu.yield
    }) : () -> ()
    %dma_start3A = arith.constant 0 : i32
    %dma_start3A_3 = arith.constant 0 : i32
    %dma_start3A_4 = tpu.memref_slice %arg2[%dma_start3A, %dma_start3A_3] : memref<6144x512xi32, #tpu.memory_space<hbm>> -> memref<6144x512xi32, #tpu.memory_space<hbm>>
    tpu.enqueue_indirect_dma source(%dma_start3A_4 : memref<6144x512xi32, #tpu.memory_space<hbm>>) target(%arg6 : memref<64x512xi32, #tpu.memory_space<vmem>>) offsets(%arg5 : memref<64xi32, #tpu.memory_space<vmem>>) semaphore(%arg7 : memref<!tpu.dma_semaphore, #tpu.memory_space<semaphore_mem>>)
    %dma_wait3A = arith.constant 0 : i32
    %dma_wait3A_5 = arith.constant 0 : i32
    %dma_wait3A_6 = tpu.memref_slice %arg2[%dma_wait3A, %dma_wait3A_5] : memref<6144x512xi32, #tpu.memory_space<hbm>> -> memref<6144x512xi32, #tpu.memory_space<hbm>>
    tpu.wait_indirect_dma semaphore(%arg7 : memref<!tpu.dma_semaphore, #tpu.memory_space<semaphore_mem>>) src(%dma_wait3A_6 : memref<6144x512xi32, #tpu.memory_space<hbm>>) dst(%arg6 : memref<64x512xi32, #tpu.memory_space<vmem>>)
    %run_scoped3A_7 = arith.constant 0 : i32
    "tpu.region"() ({
      %run_scoped3A_16 = tpu.sem_alloc : memref<!tpu.dma_semaphore, #tpu.memory_space<semaphore_mem>>
      %dma_start3A_17 = arith.constant 0 : i32
      %dma_start3A_18 = tpu.memref_slice %arg4[%run_scoped3A_7, %mul3A_2, %dma_start3A_17] : memref<2x2048x512xi32, #tpu.memory_space<hbm>> -> memref<1x64x512xi32, #tpu.memory_space<hbm>>
      %dma_start3A_19 = tpu.memref_squeeze %dma_start3A_18 : memref<1x64x512xi32, #tpu.memory_space<hbm>> -> memref<64x512xi32, #tpu.memory_space<hbm>>
      %dma_start3A_20 = arith.constant 0 : i32
      %dma_start3A_21 = tpu.memref_slice %arg4[%run_scoped3A_7, %mul3A_2, %dma_start3A_20] : memref<2x2048x512xi32, #tpu.memory_space<hbm>> -> memref<1x64x512xi32, #tpu.memory_space<hbm>>
      %dma_start3A_22 = tpu.memref_squeeze %dma_start3A_21 : memref<1x64x512xi32, #tpu.memory_space<hbm>> -> memref<64x512xi32, #tpu.memory_space<hbm>>
      tpu.enqueue_dma source(%arg6 : memref<64x512xi32, #tpu.memory_space<vmem>>) target(%dma_start3A_22 : memref<64x512xi32, #tpu.memory_space<hbm>>) target_semaphore(%run_scoped3A_16 : memref<!tpu.dma_semaphore, #tpu.memory_space<semaphore_mem>>)
      %dma_wait3A_23 = arith.constant 0 : i32
      %dma_wait3A_24 = tpu.memref_slice %arg4[%run_scoped3A_7, %mul3A_2, %dma_wait3A_23] : memref<2x2048x512xi32, #tpu.memory_space<hbm>> -> memref<1x64x512xi32, #tpu.memory_space<hbm>>
      %dma_wait3A_25 = tpu.memref_squeeze %dma_wait3A_24 : memref<1x64x512xi32, #tpu.memory_space<hbm>> -> memref<64x512xi32, #tpu.memory_space<hbm>>
      %dma_wait3A_26 = arith.constant 0 : i32
      %dma_wait3A_27 = tpu.memref_slice %arg4[%run_scoped3A_7, %mul3A_2, %dma_wait3A_26] : memref<2x2048x512xi32, #tpu.memory_space<hbm>> -> memref<1x64x512xi32, #tpu.memory_space<hbm>>
      %dma_wait3A_28 = tpu.memref_squeeze %dma_wait3A_27 : memref<1x64x512xi32, #tpu.memory_space<hbm>> -> memref<64x512xi32, #tpu.memory_space<hbm>>
      tpu.wait_dma2 semaphore(%run_scoped3A_16 : memref<!tpu.dma_semaphore, #tpu.memory_space<semaphore_mem>>) src(%arg6 : memref<64x512xi32, #tpu.memory_space<vmem>>) dst(%dma_wait3A_28 : memref<64x512xi32, #tpu.memory_space<hbm>>)
      tpu.yield
    }) : () -> ()
    %run_scoped3A_8 = arith.constant 1 : i32
    "tpu.region"() ({
      %run_scoped3A_16 = tpu.sem_alloc : memref<!tpu.dma_semaphore, #tpu.memory_space<semaphore_mem>>
      %dma_start3A_17 = tpu.memref_slice %arg3[%run_scoped3A_8, %mul3A_2] : memref<2x2048xi32, #tpu.memory_space<hbm>> -> memref<1x64xi32, #tpu.memory_space<hbm>>
      %dma_start3A_18 = tpu.memref_squeeze %dma_start3A_17 : memref<1x64xi32, #tpu.memory_space<hbm>> -> memref<64xi32, #tpu.memory_space<hbm>>
      %dma_start3A_19 = tpu.memref_slice %arg3[%run_scoped3A_8, %mul3A_2] : memref<2x2048xi32, #tpu.memory_space<hbm>> -> memref<1x64xi32, #tpu.memory_space<hbm>>
      %dma_start3A_20 = tpu.memref_squeeze %dma_start3A_19 : memref<1x64xi32, #tpu.memory_space<hbm>> -> memref<64xi32, #tpu.memory_space<hbm>>
      tpu.enqueue_dma source(%dma_start3A_20 : memref<64xi32, #tpu.memory_space<hbm>>) target(%arg5 : memref<64xi32, #tpu.memory_space<vmem>>) target_semaphore(%run_scoped3A_16 : memref<!tpu.dma_semaphore, #tpu.memory_space<semaphore_mem>>)
      %dma_wait3A_21 = tpu.memref_slice %arg3[%run_scoped3A_8, %mul3A_2] : memref<2x2048xi32, #tpu.memory_space<hbm>> -> memref<1x64xi32, #tpu.memory_space<hbm>>
      %dma_wait3A_22 = tpu.memref_squeeze %dma_wait3A_21 : memref<1x64xi32, #tpu.memory_space<hbm>> -> memref<64xi32, #tpu.memory_space<hbm>>
      %dma_wait3A_23 = tpu.memref_slice %arg3[%run_scoped3A_8, %mul3A_2] : memref<2x2048xi32, #tpu.memory_space<hbm>> -> memref<1x64xi32, #tpu.memory_space<hbm>>
      %dma_wait3A_24 = tpu.memref_squeeze %dma_wait3A_23 : memref<1x64xi32, #tpu.memory_space<hbm>> -> memref<64xi32, #tpu.memory_space<hbm>>
      tpu.wait_dma2 semaphore(%run_scoped3A_16 : memref<!tpu.dma_semaphore, #tpu.memory_space<semaphore_mem>>) src(%dma_wait3A_24 : memref<64xi32, #tpu.memory_space<hbm>>) dst(%arg5 : memref<64xi32, #tpu.memory_space<vmem>>)
      tpu.yield
    }) : () -> ()
    %dma_start3A_9 = arith.constant 0 : i32
    %dma_start3A_10 = arith.constant 0 : i32
    %dma_start3A_11 = tpu.memref_slice %arg2[%dma_start3A_9, %dma_start3A_10] : memref<6144x512xi32, #tpu.memory_space<hbm>> -> memref<6144x512xi32, #tpu.memory_space<hbm>>
    tpu.enqueue_indirect_dma source(%dma_start3A_11 : memref<6144x512xi32, #tpu.memory_space<hbm>>) target(%arg6 : memref<64x512xi32, #tpu.memory_space<vmem>>) offsets(%arg5 : memref<64xi32, #tpu.memory_space<vmem>>) semaphore(%arg7 : memref<!tpu.dma_semaphore, #tpu.memory_space<semaphore_mem>>)
    %dma_wait3A_12 = arith.constant 0 : i32
    %dma_wait3A_13 = arith.constant 0 : i32
    %dma_wait3A_14 = tpu.memref_slice %arg2[%dma_wait3A_12, %dma_wait3A_13] : memref<6144x512xi32, #tpu.memory_space<hbm>> -> memref<6144x512xi32, #tpu.memory_space<hbm>>
    tpu.wait_indirect_dma semaphore(%arg7 : memref<!tpu.dma_semaphore, #tpu.memory_space<semaphore_mem>>) src(%dma_wait3A_14 : memref<6144x512xi32, #tpu.memory_space<hbm>>) dst(%arg6 : memref<64x512xi32, #tpu.memory_space<vmem>>)
    %run_scoped3A_15 = arith.constant 1 : i32
    "tpu.region"() ({
      %run_scoped3A_16 = tpu.sem_alloc : memref<!tpu.dma_semaphore, #tpu.memory_space<semaphore_mem>>
      %dma_start3A_17 = arith.constant 0 : i32
      %dma_start3A_18 = tpu.memref_slice %arg4[%run_scoped3A_15, %mul3A_2, %dma_start3A_17] : memref<2x2048x512xi32, #tpu.memory_space<hbm>> -> memref<1x64x512xi32, #tpu.memory_space<hbm>>
      %dma_start3A_19 = tpu.memref_squeeze %dma_start3A_18 : memref<1x64x512xi32, #tpu.memory_space<hbm>> -> memref<64x512xi32, #tpu.memory_space<hbm>>
      %dma_start3A_20 = arith.constant 0 : i32
      %dma_start3A_21 = tpu.memref_slice %arg4[%run_scoped3A_15, %mul3A_2, %dma_start3A_20] : memref<2x2048x512xi32, #tpu.memory_space<hbm>> -> memref<1x64x512xi32, #tpu.memory_space<hbm>>
      %dma_start3A_22 = tpu.memref_squeeze %dma_start3A_21 : memref<1x64x512xi32, #tpu.memory_space<hbm>> -> memref<64x512xi32, #tpu.memory_space<hbm>>
      tpu.enqueue_dma source(%arg6 : memref<64x512xi32, #tpu.memory_space<vmem>>) target(%dma_start3A_22 : memref<64x512xi32, #tpu.memory_space<hbm>>) target_semaphore(%run_scoped3A_16 : memref<!tpu.dma_semaphore, #tpu.memory_space<semaphore_mem>>)
      %dma_wait3A_23 = arith.constant 0 : i32
      %dma_wait3A_24 = tpu.memref_slice %arg4[%run_scoped3A_15, %mul3A_2, %dma_wait3A_23] : memref<2x2048x512xi32, #tpu.memory_space<hbm>> -> memref<1x64x512xi32, #tpu.memory_space<hbm>>
      %dma_wait3A_25 = tpu.memref_squeeze %dma_wait3A_24 : memref<1x64x512xi32, #tpu.memory_space<hbm>> -> memref<64x512xi32, #tpu.memory_space<hbm>>
      %dma_wait3A_26 = arith.constant 0 : i32
      %dma_wait3A_27 = tpu.memref_slice %arg4[%run_scoped3A_15, %mul3A_2, %dma_wait3A_26] : memref<2x2048x512xi32, #tpu.memory_space<hbm>> -> memref<1x64x512xi32, #tpu.memory_space<hbm>>
      %dma_wait3A_28 = tpu.memref_squeeze %dma_wait3A_27 : memref<1x64x512xi32, #tpu.memory_space<hbm>> -> memref<64x512xi32, #tpu.memory_space<hbm>>
      tpu.wait_dma2 semaphore(%run_scoped3A_16 : memref<!tpu.dma_semaphore, #tpu.memory_space<semaphore_mem>>) src(%arg6 : memref<64x512xi32, #tpu.memory_space<vmem>>) dst(%dma_wait3A_28 : memref<64x512xi32, #tpu.memory_space<hbm>>)
      tpu.yield
    }) : () -> ()
    return
  }
}

#map = affine_map<(d0, d1) -> (0, 0)>
module attributes {stable_mosaic.version = 14 : i64} {
  func.func @k(%arg0: i32, %arg1: i32, %arg2: memref<2048x512xi32, #tpu.memory_space<hbm>>, %arg3: memref<2x2048xi32, #tpu.memory_space<hbm>>, %arg4: memref<6144x512xi32, #tpu.memory_space<hbm>>, %arg5: memref<64xi32, #tpu.memory_space<vmem>>, %arg6: memref<64x512xi32, #tpu.memory_space<vmem>>, %arg7: memref<!tpu.dma_semaphore, #tpu.memory_space<semaphore_mem>>) attributes {dimension_semantics = [#tpu.dimension_semantics<core_parallel>, #tpu.dimension_semantics<subcore_parallel>], iteration_bounds = array<i64: 2, 16>, scalar_prefetch = 0 : i64, scratch_operands = 3 : i64, tpu.core_type = #tpu.core_type<sc_vector_subcore>, window_params = [{transform_indices = #map}, {transform_indices = #map}, {transform_indices = #map}]} {
    %mul3A = arith.constant 2 : i32
    %mul3A_0 = arith.muli %arg1, %mul3A : i32
    %add3A = arith.addi %mul3A_0, %arg0 : i32
    %mul3A_1 = arith.constant 64 : i32
    %mul3A_2 = arith.muli %add3A, %mul3A_1 : i32
    "tpu.region"() ({
      %run_scoped3A_14 = tpu.sem_alloc : memref<!tpu.dma_semaphore, #tpu.memory_space<semaphore_mem>>
      %dma_start3A_15 = arith.constant 0 : i32
      %dma_start3A_16 = tpu.memref_slice %arg2[%mul3A_2, %dma_start3A_15] : memref<2048x512xi32, #tpu.memory_space<hbm>> -> memref<64x512xi32, #tpu.memory_space<hbm>>
      %dma_start3A_17 = arith.constant 0 : i32
      %dma_start3A_18 = tpu.memref_slice %arg2[%mul3A_2, %dma_start3A_17] : memref<2048x512xi32, #tpu.memory_space<hbm>> -> memref<64x512xi32, #tpu.memory_space<hbm>>
      tpu.enqueue_dma source(%dma_start3A_18 : memref<64x512xi32, #tpu.memory_space<hbm>>) target(%arg6 : memref<64x512xi32, #tpu.memory_space<vmem>>) target_semaphore(%run_scoped3A_14 : memref<!tpu.dma_semaphore, #tpu.memory_space<semaphore_mem>>)
      %dma_wait3A_19 = arith.constant 0 : i32
      %dma_wait3A_20 = tpu.memref_slice %arg2[%mul3A_2, %dma_wait3A_19] : memref<2048x512xi32, #tpu.memory_space<hbm>> -> memref<64x512xi32, #tpu.memory_space<hbm>>
      %dma_wait3A_21 = arith.constant 0 : i32
      %dma_wait3A_22 = tpu.memref_slice %arg2[%mul3A_2, %dma_wait3A_21] : memref<2048x512xi32, #tpu.memory_space<hbm>> -> memref<64x512xi32, #tpu.memory_space<hbm>>
      tpu.wait_dma2 semaphore(%run_scoped3A_14 : memref<!tpu.dma_semaphore, #tpu.memory_space<semaphore_mem>>) src(%dma_wait3A_22 : memref<64x512xi32, #tpu.memory_space<hbm>>) dst(%arg6 : memref<64x512xi32, #tpu.memory_space<vmem>>)
      tpu.yield
    }) : () -> ()
    %run_scoped3A = arith.constant 0 : i32
    "tpu.region"() ({
      %run_scoped3A_14 = tpu.sem_alloc : memref<!tpu.dma_semaphore, #tpu.memory_space<semaphore_mem>>
      %dma_start3A_15 = tpu.memref_slice %arg3[%run_scoped3A, %mul3A_2] : memref<2x2048xi32, #tpu.memory_space<hbm>> -> memref<1x64xi32, #tpu.memory_space<hbm>>
      %dma_start3A_16 = tpu.memref_squeeze %dma_start3A_15 : memref<1x64xi32, #tpu.memory_space<hbm>> -> memref<64xi32, #tpu.memory_space<hbm>>
      %dma_start3A_17 = tpu.memref_slice %arg3[%run_scoped3A, %mul3A_2] : memref<2x2048xi32, #tpu.memory_space<hbm>> -> memref<1x64xi32, #tpu.memory_space<hbm>>
      %dma_start3A_18 = tpu.memref_squeeze %dma_start3A_17 : memref<1x64xi32, #tpu.memory_space<hbm>> -> memref<64xi32, #tpu.memory_space<hbm>>
      tpu.enqueue_dma source(%dma_start3A_18 : memref<64xi32, #tpu.memory_space<hbm>>) target(%arg5 : memref<64xi32, #tpu.memory_space<vmem>>) target_semaphore(%run_scoped3A_14 : memref<!tpu.dma_semaphore, #tpu.memory_space<semaphore_mem>>)
      %dma_wait3A_19 = tpu.memref_slice %arg3[%run_scoped3A, %mul3A_2] : memref<2x2048xi32, #tpu.memory_space<hbm>> -> memref<1x64xi32, #tpu.memory_space<hbm>>
      %dma_wait3A_20 = tpu.memref_squeeze %dma_wait3A_19 : memref<1x64xi32, #tpu.memory_space<hbm>> -> memref<64xi32, #tpu.memory_space<hbm>>
      %dma_wait3A_21 = tpu.memref_slice %arg3[%run_scoped3A, %mul3A_2] : memref<2x2048xi32, #tpu.memory_space<hbm>> -> memref<1x64xi32, #tpu.memory_space<hbm>>
      %dma_wait3A_22 = tpu.memref_squeeze %dma_wait3A_21 : memref<1x64xi32, #tpu.memory_space<hbm>> -> memref<64xi32, #tpu.memory_space<hbm>>
      tpu.wait_dma2 semaphore(%run_scoped3A_14 : memref<!tpu.dma_semaphore, #tpu.memory_space<semaphore_mem>>) src(%dma_wait3A_22 : memref<64xi32, #tpu.memory_space<hbm>>) dst(%arg5 : memref<64xi32, #tpu.memory_space<vmem>>)
      tpu.yield
    }) : () -> ()
    %dma_start3A = arith.constant 0 : i32
    %dma_start3A_3 = arith.constant 0 : i32
    %dma_start3A_4 = tpu.memref_slice %arg4[%dma_start3A, %dma_start3A_3] : memref<6144x512xi32, #tpu.memory_space<hbm>> -> memref<6144x512xi32, #tpu.memory_space<hbm>>
    tpu.enqueue_indirect_dma source(%arg6 : memref<64x512xi32, #tpu.memory_space<vmem>>) target(%dma_start3A_4 : memref<6144x512xi32, #tpu.memory_space<hbm>>) offsets(%arg5 : memref<64xi32, #tpu.memory_space<vmem>>) semaphore(%arg7 : memref<!tpu.dma_semaphore, #tpu.memory_space<semaphore_mem>>)
    %dma_wait3A = arith.constant 0 : i32
    %dma_wait3A_5 = arith.constant 0 : i32
    %dma_wait3A_6 = tpu.memref_slice %arg4[%dma_wait3A, %dma_wait3A_5] : memref<6144x512xi32, #tpu.memory_space<hbm>> -> memref<6144x512xi32, #tpu.memory_space<hbm>>
    tpu.wait_indirect_dma semaphore(%arg7 : memref<!tpu.dma_semaphore, #tpu.memory_space<semaphore_mem>>) src(%arg6 : memref<64x512xi32, #tpu.memory_space<vmem>>) dst(%dma_wait3A_6 : memref<6144x512xi32, #tpu.memory_space<hbm>>)
    %run_scoped3A_7 = arith.constant 1 : i32
    "tpu.region"() ({
      %run_scoped3A_14 = tpu.sem_alloc : memref<!tpu.dma_semaphore, #tpu.memory_space<semaphore_mem>>
      %dma_start3A_15 = tpu.memref_slice %arg3[%run_scoped3A_7, %mul3A_2] : memref<2x2048xi32, #tpu.memory_space<hbm>> -> memref<1x64xi32, #tpu.memory_space<hbm>>
      %dma_start3A_16 = tpu.memref_squeeze %dma_start3A_15 : memref<1x64xi32, #tpu.memory_space<hbm>> -> memref<64xi32, #tpu.memory_space<hbm>>
      %dma_start3A_17 = tpu.memref_slice %arg3[%run_scoped3A_7, %mul3A_2] : memref<2x2048xi32, #tpu.memory_space<hbm>> -> memref<1x64xi32, #tpu.memory_space<hbm>>
      %dma_start3A_18 = tpu.memref_squeeze %dma_start3A_17 : memref<1x64xi32, #tpu.memory_space<hbm>> -> memref<64xi32, #tpu.memory_space<hbm>>
      tpu.enqueue_dma source(%dma_start3A_18 : memref<64xi32, #tpu.memory_space<hbm>>) target(%arg5 : memref<64xi32, #tpu.memory_space<vmem>>) target_semaphore(%run_scoped3A_14 : memref<!tpu.dma_semaphore, #tpu.memory_space<semaphore_mem>>)
      %dma_wait3A_19 = tpu.memref_slice %arg3[%run_scoped3A_7, %mul3A_2] : memref<2x2048xi32, #tpu.memory_space<hbm>> -> memref<1x64xi32, #tpu.memory_space<hbm>>
      %dma_wait3A_20 = tpu.memref_squeeze %dma_wait3A_19 : memref<1x64xi32, #tpu.memory_space<hbm>> -> memref<64xi32, #tpu.memory_space<hbm>>
      %dma_wait3A_21 = tpu.memref_slice %arg3[%run_scoped3A_7, %mul3A_2] : memref<2x2048xi32, #tpu.memory_space<hbm>> -> memref<1x64xi32, #tpu.memory_space<hbm>>
      %dma_wait3A_22 = tpu.memref_squeeze %dma_wait3A_21 : memref<1x64xi32, #tpu.memory_space<hbm>> -> memref<64xi32, #tpu.memory_space<hbm>>
      tpu.wait_dma2 semaphore(%run_scoped3A_14 : memref<!tpu.dma_semaphore, #tpu.memory_space<semaphore_mem>>) src(%dma_wait3A_22 : memref<64xi32, #tpu.memory_space<hbm>>) dst(%arg5 : memref<64xi32, #tpu.memory_space<vmem>>)
      tpu.yield
    }) : () -> ()
    %dma_start3A_8 = arith.constant 0 : i32
    %dma_start3A_9 = arith.constant 0 : i32
    %dma_start3A_10 = tpu.memref_slice %arg4[%dma_start3A_8, %dma_start3A_9] : memref<6144x512xi32, #tpu.memory_space<hbm>> -> memref<6144x512xi32, #tpu.memory_space<hbm>>
    tpu.enqueue_indirect_dma source(%arg6 : memref<64x512xi32, #tpu.memory_space<vmem>>) target(%dma_start3A_10 : memref<6144x512xi32, #tpu.memory_space<hbm>>) offsets(%arg5 : memref<64xi32, #tpu.memory_space<vmem>>) semaphore(%arg7 : memref<!tpu.dma_semaphore, #tpu.memory_space<semaphore_mem>>)
    %dma_wait3A_11 = arith.constant 0 : i32
    %dma_wait3A_12 = arith.constant 0 : i32
    %dma_wait3A_13 = tpu.memref_slice %arg4[%dma_wait3A_11, %dma_wait3A_12] : memref<6144x512xi32, #tpu.memory_space<hbm>> -> memref<6144x512xi32, #tpu.memory_space<hbm>>
    tpu.wait_indirect_dma semaphore(%arg7 : memref<!tpu.dma_semaphore, #tpu.memory_space<semaphore_mem>>) src(%arg6 : memref<64x512xi32, #tpu.memory_space<vmem>>) dst(%dma_wait3A_13 : memref<6144x512xi32, #tpu.memory_space<hbm>>)
    return
  }
}

module attributes {stable_mosaic.version = 14 : i64} {
  func.func @_final_body(%arg0: i32, %arg1: memref<256x1024xf32, #tpu.memory_space<vmem>>, %arg2: memref<2048x1024xf32, #tpu.memory_space<vmem>>, %arg3: memref<1024x1024xf32, #tpu.memory_space<vmem>>, %arg4: memref<2x256x512xi32, #tpu.memory_space<vmem>>, %arg5: memref<256x2xf32, #tpu.memory_space<vmem>>, %arg6: memref<256x1024xf32, #tpu.memory_space<vmem>>) attributes {dimension_semantics = [#tpu.dimension_semantics<arbitrary>], iteration_bounds = array<i64: 8>, scalar_prefetch = 0 : i64, scratch_operands = 0 : i64, tpu.core_type = #tpu.core_type<tc>, window_params = [{transform_indices = @transform_0, window_bounds = array<i64: 256, 1024>}, {pipeline_mode = #tpu.pipeline_mode<synchronous>, transform_indices = @transform_1, window_bounds = array<i64: 2048, 1024>}, {pipeline_mode = #tpu.pipeline_mode<synchronous>, transform_indices = @transform_2, window_bounds = array<i64: 1024, 1024>}, {transform_indices = @transform_3, window_bounds = array<i64: 2, 256, 512>}, {transform_indices = @transform_4, window_bounds = array<i64: 256, 2>}, {transform_indices = @transform_5, window_bounds = array<i64: 256, 1024>}]} {
    %get3A = arith.constant 0 : index
    %get3A_0 = arith.constant 0 : index
    %get3A_1 = vector.load %arg1[%get3A, %get3A_0] : memref<256x1024xf32, #tpu.memory_space<vmem>>, vector<256x1024xf32>
    %convert_element_type3A = arith.truncf %get3A_1 : vector<256x1024xf32> to vector<256x1024xbf16>
    %get3A_2 = arith.constant 0 : index
    %get3A_3 = arith.constant 0 : index
    %get3A_4 = vector.load %arg2[%get3A_2, %get3A_3] : memref<2048x1024xf32, #tpu.memory_space<vmem>>, vector<2048x1024xf32>
    %convert_element_type3A_5 = arith.truncf %get3A_4 : vector<2048x1024xf32> to vector<2048x1024xbf16>
    %dot_general3A = arith.constant dense<0.000000e+00> : vector<256x2048xf32>
    %dot_general3A_6 = tpu.matmul %convert_element_type3A, %convert_element_type3A_5, %dot_general3A {dimension_numbers = #tpu.dot_dimension_numbers<[1], [1], [0], [0], [0, 0, 1, 0], [], []>, transpose_lhs_hint = false} : vector<256x1024xbf16>, vector<2048x1024xbf16>, vector<256x2048xf32> -> vector<256x2048xf32>
    %slice3A = vector.extract_strided_slice %dot_general3A_6 {offsets = [0, 0], sizes = [256, 1024], strides = [1, 1]} : vector<256x2048xf32> to vector<256x1024xf32>
    %slice3A_7 = vector.extract_strided_slice %dot_general3A_6 {offsets = [0, 1024], sizes = [256, 1024], strides = [1, 1]} : vector<256x2048xf32> to vector<256x1024xf32>
    %logistic3A = arith.negf %slice3A : vector<256x1024xf32>
    %logistic3A_8 = math.exp %logistic3A : vector<256x1024xf32>
    %logistic3A_9 = arith.constant 1.000000e+00 : f32
    %logistic3A_10 = vector.broadcast %logistic3A_9 : f32 to vector<256x1024xf32>
    %logistic3A_11 = arith.addf %logistic3A_10, %logistic3A_8 : vector<256x1024xf32>
    %logistic3A_12 = arith.divf %logistic3A_10, %logistic3A_11 : vector<256x1024xf32>
    %mul3A = arith.mulf %slice3A, %logistic3A_12 : vector<256x1024xf32>
    %mul3A_13 = arith.mulf %mul3A, %slice3A_7 : vector<256x1024xf32>
    %convert_element_type3A_14 = arith.truncf %mul3A_13 : vector<256x1024xf32> to vector<256x1024xbf16>
    %get3A_15 = arith.constant 0 : index
    %get3A_16 = arith.constant 0 : index
    %get3A_17 = vector.load %arg3[%get3A_15, %get3A_16] : memref<1024x1024xf32, #tpu.memory_space<vmem>>, vector<1024x1024xf32>
    %convert_element_type3A_18 = arith.truncf %get3A_17 : vector<1024x1024xf32> to vector<1024x1024xbf16>
    %dot_general3A_19 = arith.constant dense<0.000000e+00> : vector<256x1024xf32>
    %dot_general3A_20 = tpu.matmul %convert_element_type3A_14, %convert_element_type3A_18, %dot_general3A_19 {dimension_numbers = #tpu.dot_dimension_numbers<[1], [1], [0], [0], [0, 0, 1, 0], [], []>, transpose_lhs_hint = false} : vector<256x1024xbf16>, vector<1024x1024xbf16>, vector<256x1024xf32> -> vector<256x1024xf32>
    %get3A_21 = arith.constant 0 : index
    %get3A_22 = arith.constant 0 : index
    %get3A_23 = arith.constant 0 : index
    %get3A_24 = vector.load %arg4[%get3A_21, %get3A_22, %get3A_23] : memref<2x256x512xi32, #tpu.memory_space<vmem>>, vector<1x256x512xi32>
    %get3A_25 = vector.shape_cast %get3A_24 : vector<1x256x512xi32> to vector<256x512xi32>
    %shift_left3A = arith.constant 16 : i32
    %shift_left3A_26 = vector.broadcast %shift_left3A : i32 to vector<256x512xi32>
    %shift_left3A_27 = arith.shli %get3A_25, %shift_left3A_26 : vector<256x512xi32>
    %bitcast_convert_type3A = tpu.bitcast %shift_left3A_27 : vector<256x512xi32> -> vector<256x512xf32>
    %shift_right_arithmetic3A = arith.constant 16 : i32
    %shift_right_arithmetic3A_28 = vector.broadcast %shift_right_arithmetic3A : i32 to vector<256x512xi32>
    %shift_right_arithmetic3A_29 = arith.shrsi %get3A_25, %shift_right_arithmetic3A_28 : vector<256x512xi32>
    %shift_left3A_30 = arith.constant 16 : i32
    %shift_left3A_31 = vector.broadcast %shift_left3A_30 : i32 to vector<256x512xi32>
    %shift_left3A_32 = arith.shli %shift_right_arithmetic3A_29, %shift_left3A_31 : vector<256x512xi32>
    %bitcast_convert_type3A_33 = tpu.bitcast %shift_left3A_32 : vector<256x512xi32> -> vector<256x512xf32>
    %get3A_34 = arith.constant 1 : index
    %get3A_35 = arith.constant 0 : index
    %get3A_36 = arith.constant 0 : index
    %get3A_37 = vector.load %arg4[%get3A_34, %get3A_35, %get3A_36] : memref<2x256x512xi32, #tpu.memory_space<vmem>>, vector<1x256x512xi32>
    %get3A_38 = vector.shape_cast %get3A_37 : vector<1x256x512xi32> to vector<256x512xi32>
    %shift_left3A_39 = arith.constant 16 : i32
    %shift_left3A_40 = vector.broadcast %shift_left3A_39 : i32 to vector<256x512xi32>
    %shift_left3A_41 = arith.shli %get3A_38, %shift_left3A_40 : vector<256x512xi32>
    %bitcast_convert_type3A_42 = tpu.bitcast %shift_left3A_41 : vector<256x512xi32> -> vector<256x512xf32>
    %shift_right_arithmetic3A_43 = arith.constant 16 : i32
    %shift_right_arithmetic3A_44 = vector.broadcast %shift_right_arithmetic3A_43 : i32 to vector<256x512xi32>
    %shift_right_arithmetic3A_45 = arith.shrsi %get3A_38, %shift_right_arithmetic3A_44 : vector<256x512xi32>
    %shift_left3A_46 = arith.constant 16 : i32
    %shift_left3A_47 = vector.broadcast %shift_left3A_46 : i32 to vector<256x512xi32>
    %shift_left3A_48 = arith.shli %shift_right_arithmetic3A_45, %shift_left3A_47 : vector<256x512xi32>
    %bitcast_convert_type3A_49 = tpu.bitcast %shift_left3A_48 : vector<256x512xi32> -> vector<256x512xf32>
    %concatenate3A = tpu.concatenate %bitcast_convert_type3A, %bitcast_convert_type3A_33 in 1 : vector<256x512xf32>, vector<256x512xf32> -> vector<256x1024xf32>
    %concatenate3A_50 = tpu.concatenate %bitcast_convert_type3A_42, %bitcast_convert_type3A_49 in 1 : vector<256x512xf32>, vector<256x512xf32> -> vector<256x1024xf32>
    %get3A_51 = arith.constant 0 : index
    %get3A_52 = arith.constant 0 : index
    %get3A_53 = vector.load %arg5[%get3A_51, %get3A_52] : memref<256x2xf32, #tpu.memory_space<vmem>>, vector<256x1xf32>
    %mul3A_54 = vector.broadcast %get3A_53 : vector<256x1xf32> to vector<256x1024xf32>
    %mul3A_55 = arith.mulf %mul3A_54, %concatenate3A : vector<256x1024xf32>
    %add3A = arith.addf %dot_general3A_20, %mul3A_55 : vector<256x1024xf32>
    %get3A_56 = arith.constant 0 : index
    %get3A_57 = arith.constant 1 : index
    %get3A_58 = vector.load %arg5[%get3A_56, %get3A_57] : memref<256x2xf32, #tpu.memory_space<vmem>>, vector<256x1xf32>
    %mul3A_59 = vector.broadcast %get3A_58 : vector<256x1xf32> to vector<256x1024xf32>
    %mul3A_60 = arith.mulf %mul3A_59, %concatenate3A_50 : vector<256x1024xf32>
    %add3A_61 = arith.addf %add3A, %mul3A_60 : vector<256x1024xf32>
    %swap3A = arith.constant 0 : index
    %swap3A_62 = arith.constant 0 : index
    %swap3A_63 = vector.load %arg6[%swap3A, %swap3A_62] : memref<256x1024xf32, #tpu.memory_space<vmem>>, vector<256x1024xf32>
    tpu.vector_store %arg6[%swap3A, %swap3A_62], %add3A_61 {strides = array<i32>} : memref<256x1024xf32, #tpu.memory_space<vmem>>, vector<256x1024xf32>,
    return
  }
  func.func @transform_0(%arg0: i32) -> (i32, i32) {
    %c0_i32 = arith.constant 0 : i32
    %c0_i32_0 = arith.constant 0 : i32
    return %arg0, %c0_i32 : i32, i32
  }
  func.func @transform_1(%arg0: i32) -> (i32, i32) {
    %c0_i32 = arith.constant 0 : i32
    %c0_i32_0 = arith.constant 0 : i32
    %c0_i32_1 = arith.constant 0 : i32
    return %c0_i32, %c0_i32_0 : i32, i32
  }
  func.func @transform_2(%arg0: i32) -> (i32, i32) {
    %c0_i32 = arith.constant 0 : i32
    %c0_i32_0 = arith.constant 0 : i32
    %c0_i32_1 = arith.constant 0 : i32
    return %c0_i32, %c0_i32_0 : i32, i32
  }
  func.func @transform_3(%arg0: i32) -> (i32, i32, i32) {
    %c0_i32 = arith.constant 0 : i32
    %c0_i32_0 = arith.constant 0 : i32
    %c0_i32_1 = arith.constant 0 : i32
    return %c0_i32, %arg0, %c0_i32_0 : i32, i32, i32
  }
  func.func @transform_4(%arg0: i32) -> (i32, i32) {
    %c0_i32 = arith.constant 0 : i32
    %c0_i32_0 = arith.constant 0 : i32
    return %arg0, %c0_i32 : i32, i32
  }
  func.func @transform_5(%arg0: i32) -> (i32, i32) {
    %c0_i32 = arith.constant 0 : i32
    %c0_i32_0 = arith.constant 0 : i32
    return %arg0, %c0_i32 : i32, i32
  }
}

module attributes {stable_mosaic.version = 14 : i64} {
  func.func @_gmm_body(%arg0: i32, %arg1: memref<2x24xi32, #tpu.memory_space<smem>>, %arg2: memref<256x512xi32, #tpu.memory_space<vmem>>, %arg3: memref<1x1024x1024xf32, #tpu.memory_space<vmem>>, %arg4: memref<1x1024x512xf32, #tpu.memory_space<vmem>>, %arg5: memref<256x512xi32, #tpu.memory_space<vmem>>) attributes {dimension_semantics = [#tpu.dimension_semantics<arbitrary>], iteration_bounds = array<i64: 24>, scalar_prefetch = 1 : i64, scratch_operands = 0 : i64, tpu.core_type = #tpu.core_type<tc>, window_params = [{transform_indices = @transform_0, window_bounds = array<i64: 256, 512>}, {transform_indices = @transform_1, window_bounds = array<i64: 1, 1024, 1024>}, {transform_indices = @transform_2, window_bounds = array<i64: 1, 1024, 512>}, {transform_indices = @transform_3, window_bounds = array<i64: 256, 512>}]} {
    %get3A = arith.constant 1 : index
    %get3A_0 = arith.index_cast %arg0 : i32 to index
    %get3A_1 = memref.load %arg1[%get3A, %get3A_0] : memref<2x24xi32, #tpu.memory_space<smem>>
    %eq3A = arith.constant 1 : i32
    %eq3A_2 = arith.cmpi eq, %get3A_1, %eq3A : i32
    %convert_element_type3A = arith.extui %eq3A_2 : i1 to i32
    %cond3A = arith.constant 0 : i32
    %cond3A_3 = arith.cmpi ne, %convert_element_type3A, %cond3A : i32
    scf.if %cond3A_3 {
      %get3A_4 = arith.constant 0 : index
      %get3A_5 = arith.constant 0 : index
      %get3A_6 = vector.load %arg2[%get3A_4, %get3A_5] : memref<256x512xi32, #tpu.memory_space<vmem>>, vector<256x512xi32>
      %shift_left3A = arith.constant 16 : i32
      %shift_left3A_7 = vector.broadcast %shift_left3A : i32 to vector<256x512xi32>
      %shift_left3A_8 = arith.shli %get3A_6, %shift_left3A_7 : vector<256x512xi32>
      %bitcast_convert_type3A = tpu.bitcast %shift_left3A_8 : vector<256x512xi32> -> vector<256x512xf32>
      %shift_right_arithmetic3A = arith.constant 16 : i32
      %shift_right_arithmetic3A_9 = vector.broadcast %shift_right_arithmetic3A : i32 to vector<256x512xi32>
      %shift_right_arithmetic3A_10 = arith.shrsi %get3A_6, %shift_right_arithmetic3A_9 : vector<256x512xi32>
      %shift_left3A_11 = arith.constant 16 : i32
      %shift_left3A_12 = vector.broadcast %shift_left3A_11 : i32 to vector<256x512xi32>
      %shift_left3A_13 = arith.shli %shift_right_arithmetic3A_10, %shift_left3A_12 : vector<256x512xi32>
      %bitcast_convert_type3A_14 = tpu.bitcast %shift_left3A_13 : vector<256x512xi32> -> vector<256x512xf32>
      %concatenate3A = tpu.concatenate %bitcast_convert_type3A, %bitcast_convert_type3A_14 in 1 : vector<256x512xf32>, vector<256x512xf32> -> vector<256x1024xf32>
      %convert_element_type3A_15 = arith.truncf %concatenate3A : vector<256x1024xf32> to vector<256x1024xbf16>
      %get3A_16 = arith.constant 0 : index
      %get3A_17 = arith.constant 0 : index
      %get3A_18 = arith.constant 0 : index
      %get3A_19 = vector.load %arg3[%get3A_16, %get3A_17, %get3A_18] : memref<1x1024x1024xf32, #tpu.memory_space<vmem>>, vector<1x1024x1024xf32>
      %get3A_20 = vector.shape_cast %get3A_19 : vector<1x1024x1024xf32> to vector<1024x1024xf32>
      %convert_element_type3A_21 = arith.truncf %get3A_20 : vector<1024x1024xf32> to vector<1024x1024xbf16>
      %dot_general3A = arith.constant dense<0.000000e+00> : vector<256x1024xf32>
      %dot_general3A_22 = tpu.matmul %convert_element_type3A_15, %convert_element_type3A_21, %dot_general3A {dimension_numbers = #tpu.dot_dimension_numbers<[1], [1], [0], [0], [0, 0, 1, 0], [], []>, transpose_lhs_hint = false} : vector<256x1024xbf16>, vector<1024x1024xbf16>, vector<256x1024xf32> -> vector<256x1024xf32>
      %slice3A = vector.extract_strided_slice %dot_general3A_22 {offsets = [0, 0], sizes = [256, 512], strides = [1, 1]} : vector<256x1024xf32> to vector<256x512xf32>
      %slice3A_23 = vector.extract_strided_slice %dot_general3A_22 {offsets = [0, 512], sizes = [256, 512], strides = [1, 1]} : vector<256x1024xf32> to vector<256x512xf32>
      %logistic3A = arith.negf %slice3A : vector<256x512xf32>
      %logistic3A_24 = math.exp %logistic3A : vector<256x512xf32>
      %logistic3A_25 = arith.constant 1.000000e+00 : f32
      %logistic3A_26 = vector.broadcast %logistic3A_25 : f32 to vector<256x512xf32>
      %logistic3A_27 = arith.addf %logistic3A_26, %logistic3A_24 : vector<256x512xf32>
      %logistic3A_28 = arith.divf %logistic3A_26, %logistic3A_27 : vector<256x512xf32>
      %mul3A = arith.mulf %slice3A, %logistic3A_28 : vector<256x512xf32>
      %mul3A_29 = arith.mulf %mul3A, %slice3A_23 : vector<256x512xf32>
      %convert_element_type3A_30 = arith.truncf %mul3A_29 : vector<256x512xf32> to vector<256x512xbf16>
      %get3A_31 = arith.constant 0 : index
      %get3A_32 = arith.constant 0 : index
      %get3A_33 = arith.constant 0 : index
      %get3A_34 = vector.load %arg4[%get3A_31, %get3A_32, %get3A_33] : memref<1x1024x512xf32, #tpu.memory_space<vmem>>, vector<1x1024x512xf32>
      %get3A_35 = vector.shape_cast %get3A_34 : vector<1x1024x512xf32> to vector<1024x512xf32>
      %convert_element_type3A_36 = arith.truncf %get3A_35 : vector<1024x512xf32> to vector<1024x512xbf16>
      %dot_general3A_37 = arith.constant dense<0.000000e+00> : vector<256x1024xf32>
      %dot_general3A_38 = tpu.matmul %convert_element_type3A_30, %convert_element_type3A_36, %dot_general3A_37 {dimension_numbers = #tpu.dot_dimension_numbers<[1], [1], [0], [0], [0, 0, 1, 0], [], []>, transpose_lhs_hint = false} : vector<256x512xbf16>, vector<1024x512xbf16>, vector<256x1024xf32> -> vector<256x1024xf32>
      %slice3A_39 = vector.extract_strided_slice %dot_general3A_38 {offsets = [0, 0], sizes = [256, 512], strides = [1, 1]} : vector<256x1024xf32> to vector<256x512xf32>
      %slice3A_40 = vector.extract_strided_slice %dot_general3A_38 {offsets = [0, 512], sizes = [256, 512], strides = [1, 1]} : vector<256x1024xf32> to vector<256x512xf32>
      %bitcast_convert_type3A_41 = tpu.bitcast %slice3A_40 : vector<256x512xf32> -> vector<256x512xi32>
      %shift_right_logical3A = arith.constant 16 : i32
      %shift_right_logical3A_42 = vector.broadcast %shift_right_logical3A : i32 to vector<256x512xi32>
      %shift_right_logical3A_43 = arith.shrui %bitcast_convert_type3A_41, %shift_right_logical3A_42 : vector<256x512xi32>
      %and3A = arith.constant 1 : i32
      %and3A_44 = vector.broadcast %and3A : i32 to vector<256x512xi32>
      %and3A_45 = arith.andi %shift_right_logical3A_43, %and3A_44 : vector<256x512xi32>
      %add3A = arith.constant 32767 : i32
      %add3A_46 = vector.broadcast %add3A : i32 to vector<256x512xi32>
      %add3A_47 = arith.addi %bitcast_convert_type3A_41, %add3A_46 : vector<256x512xi32>
      %add3A_48 = arith.addi %add3A_47, %and3A_45 : vector<256x512xi32>
      %shift_right_logical3A_49 = arith.constant 16 : i32
      %shift_right_logical3A_50 = vector.broadcast %shift_right_logical3A_49 : i32 to vector<256x512xi32>
      %shift_right_logical3A_51 = arith.shrui %add3A_48, %shift_right_logical3A_50 : vector<256x512xi32>
      %shift_left3A_52 = arith.constant 16 : i32
      %shift_left3A_53 = vector.broadcast %shift_left3A_52 : i32 to vector<256x512xi32>
      %shift_left3A_54 = arith.shli %shift_right_logical3A_51, %shift_left3A_53 : vector<256x512xi32>
      %bitcast_convert_type3A_55 = tpu.bitcast %slice3A_39 : vector<256x512xf32> -> vector<256x512xi32>
      %shift_right_logical3A_56 = arith.constant 16 : i32
      %shift_right_logical3A_57 = vector.broadcast %shift_right_logical3A_56 : i32 to vector<256x512xi32>
      %shift_right_logical3A_58 = arith.shrui %bitcast_convert_type3A_55, %shift_right_logical3A_57 : vector<256x512xi32>
      %and3A_59 = arith.constant 1 : i32
      %and3A_60 = vector.broadcast %and3A_59 : i32 to vector<256x512xi32>
      %and3A_61 = arith.andi %shift_right_logical3A_58, %and3A_60 : vector<256x512xi32>
      %add3A_62 = arith.constant 32767 : i32
      %add3A_63 = vector.broadcast %add3A_62 : i32 to vector<256x512xi32>
      %add3A_64 = arith.addi %bitcast_convert_type3A_55, %add3A_63 : vector<256x512xi32>
      %add3A_65 = arith.addi %add3A_64, %and3A_61 : vector<256x512xi32>
      %shift_right_logical3A_66 = arith.constant 16 : i32
      %shift_right_logical3A_67 = vector.broadcast %shift_right_logical3A_66 : i32 to vector<256x512xi32>
      %shift_right_logical3A_68 = arith.shrui %add3A_65, %shift_right_logical3A_67 : vector<256x512xi32>
      %or3A = arith.ori %shift_left3A_54, %shift_right_logical3A_68 : vector<256x512xi32>
      %swap3A = arith.constant 0 : index
      %swap3A_69 = arith.constant 0 : index
      %swap3A_70 = vector.load %arg5[%swap3A, %swap3A_69] : memref<256x512xi32, #tpu.memory_space<vmem>>, vector<256x512xi32>
      tpu.vector_store %arg5[%swap3A, %swap3A_69], %or3A {strides = array<i32>} : memref<256x512xi32, #tpu.memory_space<vmem>>, vector<256x512xi32>,
    } else {
    }
    return
  }
  func.func @transform_0(%arg0: i32, %arg1: memref<2x24xi32, #tpu.memory_space<smem>>) -> (i32, i32) {
    %c0_i32 = arith.constant 0 : i32
    %c0_i32_0 = arith.constant 0 : i32
    return %arg0, %c0_i32 : i32, i32
  }
  func.func @transform_1(%arg0: i32, %arg1: memref<2x24xi32, #tpu.memory_space<smem>>) -> (i32, i32, i32) {
    %get3A = arith.constant 0 : index
    %get3A_0 = arith.index_cast %arg0 : i32 to index
    %get3A_1 = memref.load %arg1[%get3A, %get3A_0] : memref<2x24xi32, #tpu.memory_space<smem>>
    %c0_i32 = arith.constant 0 : i32
    %c0_i32_2 = arith.constant 0 : i32
    %c0_i32_3 = arith.constant 0 : i32
    return %get3A_1, %c0_i32, %c0_i32_2 : i32, i32, i32
  }
  func.func @transform_2(%arg0: i32, %arg1: memref<2x24xi32, #tpu.memory_space<smem>>) -> (i32, i32, i32) {
    %get3A = arith.constant 0 : index
    %get3A_0 = arith.index_cast %arg0 : i32 to index
    %get3A_1 = memref.load %arg1[%get3A, %get3A_0] : memref<2x24xi32, #tpu.memory_space<smem>>
    %c0_i32 = arith.constant 0 : i32
    %c0_i32_2 = arith.constant 0 : i32
    %c0_i32_3 = arith.constant 0 : i32
    return %get3A_1, %c0_i32, %c0_i32_2 : i32, i32, i32
  }
  func.func @transform_3(%arg0: i32, %arg1: memref<2x24xi32, #tpu.memory_space<smem>>) -> (i32, i32) {
    %c0_i32 = arith.constant 0 : i32
    %c0_i32_0 = arith.constant 0 : i32
    return %arg0, %c0_i32 : i32, i32
  }
}

module attributes {stable_mosaic.version = 14 : i64} {
  func.func @_router_body(%arg0: memref<2048x1024xf32, #tpu.memory_space<vmem>>, %arg1: memref<8x1024xf32, #tpu.memory_space<vmem>>, %arg2: memref<2048x2xi32, #tpu.memory_space<vmem>>, %arg3: memref<2048x2xf32, #tpu.memory_space<vmem>>, %arg4: memref<2x24xi32, #tpu.memory_space<vmem>>, %arg5: memref<2048x512xi32, #tpu.memory_space<vmem>>) attributes {dimension_semantics = [], scalar_prefetch = 0 : i64, scratch_operands = 0 : i64, tpu.core_type = #tpu.core_type<tc>} {
    %iota3A = tpu.iota {dimensions = array<i32: 1>} : vector<2048x8xi32>
    %get3A = arith.constant 0 : index
    %get3A_0 = arith.constant 0 : index
    %get3A_1 = vector.load %arg0[%get3A, %get3A_0] : memref<2048x1024xf32, #tpu.memory_space<vmem>>, vector<2048x1024xf32>
    %convert_element_type3A = arith.truncf %get3A_1 : vector<2048x1024xf32> to vector<2048x1024xbf16>
    %get3A_2 = arith.constant 0 : index
    %get3A_3 = arith.constant 0 : index
    %get3A_4 = vector.load %arg1[%get3A_2, %get3A_3] : memref<8x1024xf32, #tpu.memory_space<vmem>>, vector<8x1024xf32>
    %convert_element_type3A_5 = arith.truncf %get3A_4 : vector<8x1024xf32> to vector<8x1024xbf16>
    %dot_general3A = arith.constant dense<0.000000e+00> : vector<2048x8xf32>
    %dot_general3A_6 = tpu.matmul %convert_element_type3A, %convert_element_type3A_5, %dot_general3A {dimension_numbers = #tpu.dot_dimension_numbers<[1], [1], [0], [0], [0, 0, 1, 0], [], []>, transpose_lhs_hint = false} : vector<2048x1024xbf16>, vector<8x1024xbf16>, vector<2048x8xf32> -> vector<2048x8xf32>
    %reduce_max3A = arith.constant dense<0xFF800000> : vector<2048xf32>
    %reduce_max3A_7 = vector.multi_reduction <maximumf>, %dot_general3A_6, %reduce_max3A [1] : vector<2048x8xf32> to vector<2048xf32>
    %broadcast_in_dim3A = vector.shape_cast %reduce_max3A_7 : vector<2048xf32> to vector<2048x1xf32>
    %sub3A = vector.broadcast %broadcast_in_dim3A : vector<2048x1xf32> to vector<2048x8xf32>
    %sub3A_8 = arith.subf %dot_general3A_6, %sub3A : vector<2048x8xf32>
    %exp3A = math.exp %sub3A_8 : vector<2048x8xf32>
    %reduce_sum3A = arith.constant dense<0.000000e+00> : vector<2048xf32>
    %reduce_sum3A_9 = vector.multi_reduction <add>, %exp3A, %reduce_sum3A [1] : vector<2048x8xf32> to vector<2048xf32>
    %broadcast_in_dim3A_10 = vector.shape_cast %reduce_sum3A_9 : vector<2048xf32> to vector<2048x1xf32>
    %div3A = vector.broadcast %broadcast_in_dim3A_10 : vector<2048x1xf32> to vector<2048x8xf32>
    %div3A_11 = arith.divf %exp3A, %div3A : vector<2048x8xf32>
    %lt3A = arith.constant 4 : i32
    %lt3A_12 = vector.broadcast %lt3A : i32 to vector<2048x8xi32>
    %lt3A_13 = arith.cmpi slt, %iota3A, %lt3A_12 : vector<2048x8xi32>
    %jit3A = arith.constant -1.000000e+30 : f32
    %broadcast_in_dim3A_14 = vector.broadcast %jit3A : f32 to vector<2048x8xf32>
    %select_n3A = arith.select %lt3A_13, %div3A_11, %broadcast_in_dim3A_14 : vector<2048x8xi1>, vector<2048x8xf32>
    %reduce_max3A_15 = arith.constant dense<0xFF800000> : vector<2048xf32>
    %reduce_max3A_16 = vector.multi_reduction <maximumf>, %select_n3A, %reduce_max3A_15 [1] : vector<2048x8xf32> to vector<2048xf32>
    %broadcast_in_dim3A_17 = vector.shape_cast %reduce_max3A_16 : vector<2048xf32> to vector<2048x1xf32>
    %ge3A = arith.constant 4 : i32
    %ge3A_18 = vector.broadcast %ge3A : i32 to vector<2048x8xi32>
    %ge3A_19 = arith.cmpi sge, %iota3A, %ge3A_18 : vector<2048x8xi32>
    %jit3A_20 = arith.constant -1.000000e+30 : f32
    %broadcast_in_dim3A_21 = vector.broadcast %jit3A_20 : f32 to vector<2048x8xf32>
    %select_n3A_22 = arith.select %ge3A_19, %div3A_11, %broadcast_in_dim3A_21 : vector<2048x8xi1>, vector<2048x8xf32>
    %reduce_max3A_23 = arith.constant dense<0xFF800000> : vector<2048xf32>
    %reduce_max3A_24 = vector.multi_reduction <maximumf>, %select_n3A_22, %reduce_max3A_23 [1] : vector<2048x8xf32> to vector<2048xf32>
    %broadcast_in_dim3A_25 = vector.shape_cast %reduce_max3A_24 : vector<2048xf32> to vector<2048x1xf32>
    %lt3A_26 = arith.constant 4 : i32
    %lt3A_27 = vector.broadcast %lt3A_26 : i32 to vector<2048x8xi32>
    %lt3A_28 = arith.cmpi slt, %iota3A, %lt3A_27 : vector<2048x8xi32>
    %jit3A_29 = arith.constant 1.000000e+00 : f32
    %jit3A_30 = arith.constant 0.000000e+00 : f32
    %broadcast_in_dim3A_31 = vector.broadcast %jit3A_29 : f32 to vector<2048x8xf32>
    %broadcast_in_dim3A_32 = vector.broadcast %jit3A_30 : f32 to vector<2048x8xf32>
    %select_n3A_33 = arith.select %lt3A_28, %broadcast_in_dim3A_31, %broadcast_in_dim3A_32 : vector<2048x8xi1>, vector<2048x8xf32>
    %ge3A_34 = arith.cmpf oge, %broadcast_in_dim3A_17, %broadcast_in_dim3A_25 : vector<2048x1xf32>
    %jit3A_35 = arith.constant 1.000000e+00 : f32
    %jit3A_36 = arith.constant 0.000000e+00 : f32
    %broadcast_in_dim3A_37 = vector.broadcast %jit3A_35 : f32 to vector<2048x1xf32>
    %broadcast_in_dim3A_38 = vector.broadcast %jit3A_36 : f32 to vector<2048x1xf32>
    %select_n3A_39 = arith.select %ge3A_34, %broadcast_in_dim3A_37, %broadcast_in_dim3A_38 : vector<2048x1xi1>, vector<2048x1xf32>
    %mul3A = vector.broadcast %select_n3A_39 : vector<2048x1xf32> to vector<2048x8xf32>
    %mul3A_40 = arith.mulf %mul3A, %select_n3A_33 : vector<2048x8xf32>
    %sub3A_41 = arith.constant 1.000000e+00 : f32
    %sub3A_42 = vector.broadcast %sub3A_41 : f32 to vector<2048x1xf32>
    %sub3A_43 = arith.subf %sub3A_42, %select_n3A_39 : vector<2048x1xf32>
    %sub3A_44 = arith.constant 1.000000e+00 : f32
    %sub3A_45 = vector.broadcast %sub3A_44 : f32 to vector<2048x8xf32>
    %sub3A_46 = arith.subf %sub3A_45, %select_n3A_33 : vector<2048x8xf32>
    %mul3A_47 = vector.broadcast %sub3A_43 : vector<2048x1xf32> to vector<2048x8xf32>
    %mul3A_48 = arith.mulf %mul3A_47, %sub3A_46 : vector<2048x8xf32>
    %add3A = arith.addf %mul3A_40, %mul3A_48 : vector<2048x8xf32>
    %mul3A_49 = arith.mulf %div3A_11, %add3A : vector<2048x8xf32>
    %reduce_max3A_50 = arith.constant dense<0xFF800000> : vector<2048xf32>
    %reduce_max3A_51 = vector.multi_reduction <maximumf>, %mul3A_49, %reduce_max3A_50 [1] : vector<2048x8xf32> to vector<2048xf32>
    %broadcast_in_dim3A_52 = vector.shape_cast %reduce_max3A_51 : vector<2048xf32> to vector<2048x1xf32>
    %eq3A = vector.broadcast %broadcast_in_dim3A_52 : vector<2048x1xf32> to vector<2048x8xf32>
    %eq3A_53 = arith.cmpf oeq, %mul3A_49, %eq3A : vector<2048x8xf32>
    %jit3A_54 = arith.constant 8 : i32
    %broadcast_in_dim3A_55 = vector.broadcast %jit3A_54 : i32 to vector<2048x8xi32>
    %select_n3A_56 = arith.select %eq3A_53, %iota3A, %broadcast_in_dim3A_55 : vector<2048x8xi1>, vector<2048x8xi32>
    %reduce_min3A = arith.constant dense<2147483647> : vector<2048xi32>
    %reduce_min3A_57 = vector.multi_reduction <minsi>, %select_n3A_56, %reduce_min3A [1] : vector<2048x8xi32> to vector<2048xi32>
    %broadcast_in_dim3A_58 = vector.shape_cast %reduce_min3A_57 : vector<2048xi32> to vector<2048x1xi32>
    %eq3A_59 = vector.broadcast %broadcast_in_dim3A_58 : vector<2048x1xi32> to vector<2048x8xi32>
    %eq3A_60 = arith.cmpi eq, %iota3A, %eq3A_59 : vector<2048x8xi32>
    %jit3A_61 = arith.constant -1.000000e+00 : f32
    %broadcast_in_dim3A_62 = vector.broadcast %jit3A_61 : f32 to vector<2048x8xf32>
    %select_n3A_63 = arith.select %eq3A_60, %broadcast_in_dim3A_62, %mul3A_49 : vector<2048x8xi1>, vector<2048x8xf32>
    %reduce_max3A_64 = arith.constant dense<0xFF800000> : vector<2048xf32>
    %reduce_max3A_65 = vector.multi_reduction <maximumf>, %select_n3A_63, %reduce_max3A_64 [1] : vector<2048x8xf32> to vector<2048xf32>
    %broadcast_in_dim3A_66 = vector.shape_cast %reduce_max3A_65 : vector<2048xf32> to vector<2048x1xf32>
    %eq3A_67 = vector.broadcast %broadcast_in_dim3A_66 : vector<2048x1xf32> to vector<2048x8xf32>
    %eq3A_68 = arith.cmpf oeq, %select_n3A_63, %eq3A_67 : vector<2048x8xf32>
    %jit3A_69 = arith.constant 8 : i32
    %broadcast_in_dim3A_70 = vector.broadcast %jit3A_69 : i32 to vector<2048x8xi32>
    %select_n3A_71 = arith.select %eq3A_68, %iota3A, %broadcast_in_dim3A_70 : vector<2048x8xi1>, vector<2048x8xi32>
    %reduce_min3A_72 = arith.constant dense<2147483647> : vector<2048xi32>
    %reduce_min3A_73 = vector.multi_reduction <minsi>, %select_n3A_71, %reduce_min3A_72 [1] : vector<2048x8xi32> to vector<2048xi32>
    %broadcast_in_dim3A_74 = vector.shape_cast %reduce_min3A_73 : vector<2048xi32> to vector<2048x1xi32>
    %add3A_75 = arith.addf %broadcast_in_dim3A_52, %broadcast_in_dim3A_66 : vector<2048x1xf32>
    %add3A_76 = arith.constant 9.99999968E-21 : f32
    %add3A_77 = vector.broadcast %add3A_76 : f32 to vector<2048x1xf32>
    %add3A_78 = arith.addf %add3A_75, %add3A_77 : vector<2048x1xf32>
    %div3A_79 = arith.divf %broadcast_in_dim3A_52, %add3A_78 : vector<2048x1xf32>
    %mul3A_80 = arith.constant 2.500000e+00 : f32
    %mul3A_81 = vector.broadcast %mul3A_80 : f32 to vector<2048x1xf32>
    %mul3A_82 = arith.mulf %div3A_79, %mul3A_81 : vector<2048x1xf32>
    %swap3A = arith.constant 0 : index
    %swap3A_83 = arith.constant 0 : index
    %swap3A_84 = vector.load %arg3[%swap3A, %swap3A_83] : memref<2048x2xf32, #tpu.memory_space<vmem>>, vector<2048x1xf32>
    tpu.vector_store %arg3[%swap3A, %swap3A_83], %mul3A_82 {strides = array<i32>} : memref<2048x2xf32, #tpu.memory_space<vmem>>, vector<2048x1xf32>,
    %div3A_85 = arith.divf %broadcast_in_dim3A_66, %add3A_78 : vector<2048x1xf32>
    %mul3A_86 = arith.constant 2.500000e+00 : f32
    %mul3A_87 = vector.broadcast %mul3A_86 : f32 to vector<2048x1xf32>
    %mul3A_88 = arith.mulf %div3A_85, %mul3A_87 : vector<2048x1xf32>
    %swap3A_89 = arith.constant 0 : index
    %swap3A_90 = arith.constant 1 : index
    %swap3A_91 = vector.load %arg3[%swap3A_89, %swap3A_90] : memref<2048x2xf32, #tpu.memory_space<vmem>>, vector<2048x1xf32>
    tpu.vector_store %arg3[%swap3A_89, %swap3A_90], %mul3A_88 {strides = array<i32>} : memref<2048x2xf32, #tpu.memory_space<vmem>>, vector<2048x1xf32>,
    %eq3A_92 = vector.broadcast %broadcast_in_dim3A_58 : vector<2048x1xi32> to vector<2048x8xi32>
    %eq3A_93 = arith.cmpi eq, %iota3A, %eq3A_92 : vector<2048x8xi32>
    %jit3A_94 = arith.constant 1.000000e+00 : f32
    %jit3A_95 = arith.constant 0.000000e+00 : f32
    %broadcast_in_dim3A_96 = vector.broadcast %jit3A_94 : f32 to vector<2048x8xf32>
    %broadcast_in_dim3A_97 = vector.broadcast %jit3A_95 : f32 to vector<2048x8xf32>
    %select_n3A_98 = arith.select %eq3A_93, %broadcast_in_dim3A_96, %broadcast_in_dim3A_97 : vector<2048x8xi1>, vector<2048x8xf32>
    %eq3A_99 = vector.broadcast %broadcast_in_dim3A_74 : vector<2048x1xi32> to vector<2048x8xi32>
    %eq3A_100 = arith.cmpi eq, %iota3A, %eq3A_99 : vector<2048x8xi32>
    %jit3A_101 = arith.constant 1.000000e+00 : f32
    %jit3A_102 = arith.constant 0.000000e+00 : f32
    %broadcast_in_dim3A_103 = vector.broadcast %jit3A_101 : f32 to vector<2048x8xf32>
    %broadcast_in_dim3A_104 = vector.broadcast %jit3A_102 : f32 to vector<2048x8xf32>
    %select_n3A_105 = arith.select %eq3A_100, %broadcast_in_dim3A_103, %broadcast_in_dim3A_104 : vector<2048x8xi1>, vector<2048x8xf32>
    %add3A_106 = arith.addf %select_n3A_98, %select_n3A_105 : vector<2048x8xf32>
    %broadcast_in_dim3A_107 = arith.constant 0.000000e+00 : f32
    %broadcast_in_dim3A_108 = vector.broadcast %broadcast_in_dim3A_107 : f32 to vector<1x8xf32>
    %slice3A = vector.extract_strided_slice %add3A_106 {offsets = [0, 0], sizes = [2047, 8], strides = [1, 1]} : vector<2048x8xf32> to vector<2047x8xf32>
    %concatenate3A = tpu.concatenate %broadcast_in_dim3A_108, %slice3A in 0 : vector<1x8xf32>, vector<2047x8xf32> -> vector<2048x8xf32>
    %add3A_109 = arith.addf %add3A_106, %concatenate3A : vector<2048x8xf32>
    %broadcast_in_dim3A_110 = arith.constant 0.000000e+00 : f32
    %broadcast_in_dim3A_111 = vector.broadcast %broadcast_in_dim3A_110 : f32 to vector<2x8xf32>
    %slice3A_112 = vector.extract_strided_slice %add3A_109 {offsets = [0, 0], sizes = [2046, 8], strides = [1, 1]} : vector<2048x8xf32> to vector<2046x8xf32>
    %concatenate3A_113 = tpu.concatenate %broadcast_in_dim3A_111, %slice3A_112 in 0 : vector<2x8xf32>, vector<2046x8xf32> -> vector<2048x8xf32>
    %add3A_114 = arith.addf %add3A_109, %concatenate3A_113 : vector<2048x8xf32>
    %broadcast_in_dim3A_115 = arith.constant 0.000000e+00 : f32
    %broadcast_in_dim3A_116 = vector.broadcast %broadcast_in_dim3A_115 : f32 to vector<4x8xf32>
    %slice3A_117 = vector.extract_strided_slice %add3A_114 {offsets = [0, 0], sizes = [2044, 8], strides = [1, 1]} : vector<2048x8xf32> to vector<2044x8xf32>
    %concatenate3A_118 = tpu.concatenate %broadcast_in_dim3A_116, %slice3A_117 in 0 : vector<4x8xf32>, vector<2044x8xf32> -> vector<2048x8xf32>
    %add3A_119 = arith.addf %add3A_114, %concatenate3A_118 : vector<2048x8xf32>
    %broadcast_in_dim3A_120 = arith.constant 0.000000e+00 : f32
    %broadcast_in_dim3A_121 = vector.broadcast %broadcast_in_dim3A_120 : f32 to vector<8x8xf32>
    %slice3A_122 = vector.extract_strided_slice %add3A_119 {offsets = [0, 0], sizes = [2040, 8], strides = [1, 1]} : vector<2048x8xf32> to vector<2040x8xf32>
    %concatenate3A_123 = tpu.concatenate %broadcast_in_dim3A_121, %slice3A_122 in 0 : vector<8x8xf32>, vector<2040x8xf32> -> vector<2048x8xf32>
    %add3A_124 = arith.addf %add3A_119, %concatenate3A_123 : vector<2048x8xf32>
    %broadcast_in_dim3A_125 = arith.constant 0.000000e+00 : f32
    %broadcast_in_dim3A_126 = vector.broadcast %broadcast_in_dim3A_125 : f32 to vector<16x8xf32>
    %slice3A_127 = vector.extract_strided_slice %add3A_124 {offsets = [0, 0], sizes = [2032, 8], strides = [1, 1]} : vector<2048x8xf32> to vector<2032x8xf32>
    %concatenate3A_128 = tpu.concatenate %broadcast_in_dim3A_126, %slice3A_127 in 0 : vector<16x8xf32>, vector<2032x8xf32> -> vector<2048x8xf32>
    %add3A_129 = arith.addf %add3A_124, %concatenate3A_128 : vector<2048x8xf32>
    %broadcast_in_dim3A_130 = arith.constant 0.000000e+00 : f32
    %broadcast_in_dim3A_131 = vector.broadcast %broadcast_in_dim3A_130 : f32 to vector<32x8xf32>
    %slice3A_132 = vector.extract_strided_slice %add3A_129 {offsets = [0, 0], sizes = [2016, 8], strides = [1, 1]} : vector<2048x8xf32> to vector<2016x8xf32>
    %concatenate3A_133 = tpu.concatenate %broadcast_in_dim3A_131, %slice3A_132 in 0 : vector<32x8xf32>, vector<2016x8xf32> -> vector<2048x8xf32>
    %add3A_134 = arith.addf %add3A_129, %concatenate3A_133 : vector<2048x8xf32>
    %broadcast_in_dim3A_135 = arith.constant 0.000000e+00 : f32
    %broadcast_in_dim3A_136 = vector.broadcast %broadcast_in_dim3A_135 : f32 to vector<64x8xf32>
    %slice3A_137 = vector.extract_strided_slice %add3A_134 {offsets = [0, 0], sizes = [1984, 8], strides = [1, 1]} : vector<2048x8xf32> to vector<1984x8xf32>
    %concatenate3A_138 = tpu.concatenate %broadcast_in_dim3A_136, %slice3A_137 in 0 : vector<64x8xf32>, vector<1984x8xf32> -> vector<2048x8xf32>
    %add3A_139 = arith.addf %add3A_134, %concatenate3A_138 : vector<2048x8xf32>
    %broadcast_in_dim3A_140 = arith.constant 0.000000e+00 : f32
    %broadcast_in_dim3A_141 = vector.broadcast %broadcast_in_dim3A_140 : f32 to vector<128x8xf32>
    %slice3A_142 = vector.extract_strided_slice %add3A_139 {offsets = [0, 0], sizes = [1920, 8], strides = [1, 1]} : vector<2048x8xf32> to vector<1920x8xf32>
    %concatenate3A_143 = tpu.concatenate %broadcast_in_dim3A_141, %slice3A_142 in 0 : vector<128x8xf32>, vector<1920x8xf32> -> vector<2048x8xf32>
    %add3A_144 = arith.addf %add3A_139, %concatenate3A_143 : vector<2048x8xf32>
    %broadcast_in_dim3A_145 = arith.constant 0.000000e+00 : f32
    %broadcast_in_dim3A_146 = vector.broadcast %broadcast_in_dim3A_145 : f32 to vector<256x8xf32>
    %slice3A_147 = vector.extract_strided_slice %add3A_144 {offsets = [0, 0], sizes = [1792, 8], strides = [1, 1]} : vector<2048x8xf32> to vector<1792x8xf32>
    %concatenate3A_148 = tpu.concatenate %broadcast_in_dim3A_146, %slice3A_147 in 0 : vector<256x8xf32>, vector<1792x8xf32> -> vector<2048x8xf32>
    %add3A_149 = arith.addf %add3A_144, %concatenate3A_148 : vector<2048x8xf32>
    %broadcast_in_dim3A_150 = arith.constant 0.000000e+00 : f32
    %broadcast_in_dim3A_151 = vector.broadcast %broadcast_in_dim3A_150 : f32 to vector<512x8xf32>
    %slice3A_152 = vector.extract_strided_slice %add3A_149 {offsets = [0, 0], sizes = [1536, 8], strides = [1, 1]} : vector<2048x8xf32> to vector<1536x8xf32>
    %concatenate3A_153 = tpu.concatenate %broadcast_in_dim3A_151, %slice3A_152 in 0 : vector<512x8xf32>, vector<1536x8xf32> -> vector<2048x8xf32>
    %add3A_154 = arith.addf %add3A_149, %concatenate3A_153 : vector<2048x8xf32>
    %broadcast_in_dim3A_155 = arith.constant 0.000000e+00 : f32
    %broadcast_in_dim3A_156 = vector.broadcast %broadcast_in_dim3A_155 : f32 to vector<1024x8xf32>
    %slice3A_157 = vector.extract_strided_slice %add3A_154 {offsets = [0, 0], sizes = [1024, 8], strides = [1, 1]} : vector<2048x8xf32> to vector<1024x8xf32>
    %concatenate3A_158 = tpu.concatenate %broadcast_in_dim3A_156, %slice3A_157 in 0 : vector<1024x8xf32>, vector<1024x8xf32> -> vector<2048x8xf32>
    %add3A_159 = arith.addf %add3A_154, %concatenate3A_158 : vector<2048x8xf32>
    %sub3A_160 = arith.subf %add3A_159, %add3A_106 : vector<2048x8xf32>
    %reduce_max3A_161 = arith.constant dense<0xFF800000> : vector<8xf32>
    %reduce_max3A_162 = vector.multi_reduction <maximumf>, %add3A_159, %reduce_max3A_161 [0] : vector<2048x8xf32> to vector<8xf32>
    %broadcast_in_dim3A_163 = vector.shape_cast %reduce_max3A_162 : vector<8xf32> to vector<1x8xf32>
    %add3A_164 = arith.constant 2.550000e+02 : f32
    %add3A_165 = vector.broadcast %add3A_164 : f32 to vector<1x8xf32>
    %add3A_166 = arith.addf %broadcast_in_dim3A_163, %add3A_165 : vector<1x8xf32>
    %mul3A_167 = arith.constant 3.906250e-03 : f32
    %mul3A_168 = vector.broadcast %mul3A_167 : f32 to vector<1x8xf32>
    %mul3A_169 = arith.mulf %add3A_166, %mul3A_168 : vector<1x8xf32>
    %floor3A = math.floor %mul3A_169 : vector<1x8xf32>
    %broadcast_in_dim3A_170 = arith.constant 0.000000e+00 : f32
    %broadcast_in_dim3A_171 = vector.broadcast %broadcast_in_dim3A_170 : f32 to vector<1x1xf32>
    %slice3A_172 = vector.extract_strided_slice %floor3A {offsets = [0, 0], sizes = [1, 7], strides = [1, 1]} : vector<1x8xf32> to vector<1x7xf32>
    %concatenate3A_173 = tpu.concatenate %broadcast_in_dim3A_171, %slice3A_172 in 1 : vector<1x1xf32>, vector<1x7xf32> -> vector<1x8xf32>
    %add3A_174 = arith.addf %floor3A, %concatenate3A_173 : vector<1x8xf32>
    %broadcast_in_dim3A_175 = arith.constant 0.000000e+00 : f32
    %broadcast_in_dim3A_176 = vector.broadcast %broadcast_in_dim3A_175 : f32 to vector<1x2xf32>
    %slice3A_177 = vector.extract_strided_slice %add3A_174 {offsets = [0, 0], sizes = [1, 6], strides = [1, 1]} : vector<1x8xf32> to vector<1x6xf32>
    %concatenate3A_178 = tpu.concatenate %broadcast_in_dim3A_176, %slice3A_177 in 1 : vector<1x2xf32>, vector<1x6xf32> -> vector<1x8xf32>
    %add3A_179 = arith.addf %add3A_174, %concatenate3A_178 : vector<1x8xf32>
    %broadcast_in_dim3A_180 = arith.constant 0.000000e+00 : f32
    %broadcast_in_dim3A_181 = vector.broadcast %broadcast_in_dim3A_180 : f32 to vector<1x4xf32>
    %slice3A_182 = vector.extract_strided_slice %add3A_179 {offsets = [0, 0], sizes = [1, 4], strides = [1, 1]} : vector<1x8xf32> to vector<1x4xf32>
    %concatenate3A_183 = tpu.concatenate %broadcast_in_dim3A_181, %slice3A_182 in 1 : vector<1x4xf32>, vector<1x4xf32> -> vector<1x8xf32>
    %add3A_184 = arith.addf %add3A_179, %concatenate3A_183 : vector<1x8xf32>
    %sub3A_185 = arith.subf %add3A_184, %floor3A : vector<1x8xf32>
    %mul3A_186 = arith.constant 2.560000e+02 : f32
    %mul3A_187 = vector.broadcast %mul3A_186 : f32 to vector<1x8xf32>
    %mul3A_188 = arith.mulf %sub3A_185, %mul3A_187 : vector<1x8xf32>
    %add3A_189 = vector.broadcast %mul3A_188 : vector<1x8xf32> to vector<2048x8xf32>
    %add3A_190 = arith.addf %add3A_189, %sub3A_160 : vector<2048x8xf32>
    %eq3A_191 = vector.broadcast %broadcast_in_dim3A_58 : vector<2048x1xi32> to vector<2048x8xi32>
    %eq3A_192 = arith.cmpi eq, %iota3A, %eq3A_191 : vector<2048x8xi32>
    %jit3A_193 = arith.constant 0.000000e+00 : f32
    %broadcast_in_dim3A_194 = vector.broadcast %jit3A_193 : f32 to vector<2048x8xf32>
    %select_n3A_195 = arith.select %eq3A_192, %add3A_190, %broadcast_in_dim3A_194 : vector<2048x8xi1>, vector<2048x8xf32>
    %reduce_sum3A_196 = arith.constant dense<0.000000e+00> : vector<2048xf32>
    %reduce_sum3A_197 = vector.multi_reduction <add>, %select_n3A_195, %reduce_sum3A_196 [1] : vector<2048x8xf32> to vector<2048xf32>
    %broadcast_in_dim3A_198 = vector.shape_cast %reduce_sum3A_197 : vector<2048xf32> to vector<2048x1xf32>
    %eq3A_199 = vector.broadcast %broadcast_in_dim3A_74 : vector<2048x1xi32> to vector<2048x8xi32>
    %eq3A_200 = arith.cmpi eq, %iota3A, %eq3A_199 : vector<2048x8xi32>
    %jit3A_201 = arith.constant 0.000000e+00 : f32
    %broadcast_in_dim3A_202 = vector.broadcast %jit3A_201 : f32 to vector<2048x8xf32>
    %select_n3A_203 = arith.select %eq3A_200, %add3A_190, %broadcast_in_dim3A_202 : vector<2048x8xi1>, vector<2048x8xf32>
    %reduce_sum3A_204 = arith.constant dense<0.000000e+00> : vector<2048xf32>
    %reduce_sum3A_205 = vector.multi_reduction <add>, %select_n3A_203, %reduce_sum3A_204 [1] : vector<2048x8xf32> to vector<2048xf32>
    %broadcast_in_dim3A_206 = vector.shape_cast %reduce_sum3A_205 : vector<2048xf32> to vector<2048x1xf32>
    %convert_element_type3A_207 = arith.fptosi %broadcast_in_dim3A_198 : vector<2048x1xf32> to vector<2048x1xi32>
    %swap3A_208 = arith.constant 0 : index
    %swap3A_209 = arith.constant 0 : index
    %swap3A_210 = vector.load %arg2[%swap3A_208, %swap3A_209] : memref<2048x2xi32, #tpu.memory_space<vmem>>, vector<2048x1xi32>
    tpu.vector_store %arg2[%swap3A_208, %swap3A_209], %convert_element_type3A_207 {strides = array<i32>} : memref<2048x2xi32, #tpu.memory_space<vmem>>, vector<2048x1xi32>,
    %convert_element_type3A_211 = arith.fptosi %broadcast_in_dim3A_206 : vector<2048x1xf32> to vector<2048x1xi32>
    %swap3A_212 = arith.constant 0 : index
    %swap3A_213 = arith.constant 1 : index
    %swap3A_214 = vector.load %arg2[%swap3A_212, %swap3A_213] : memref<2048x2xi32, #tpu.memory_space<vmem>>, vector<2048x1xi32>
    tpu.vector_store %arg2[%swap3A_212, %swap3A_213], %convert_element_type3A_211 {strides = array<i32>} : memref<2048x2xi32, #tpu.memory_space<vmem>>, vector<2048x1xi32>,
    %add3A_215 = arith.addf %sub3A_185, %floor3A : vector<1x8xf32>
    %iota3A_216 = tpu.iota {dimensions = array<i32: 0>} : vector<8x8xi32>
    %iota3A_217 = tpu.iota {dimensions = array<i32: 1>} : vector<8x8xi32>
    %eq3A_218 = arith.cmpi eq, %iota3A_216, %iota3A_217 : vector<8x8xi32>
    %jit3A_219 = arith.constant 1.000000e+00 : f32
    %jit3A_220 = arith.constant 0.000000e+00 : f32
    %broadcast_in_dim3A_221 = vector.broadcast %jit3A_219 : f32 to vector<8x8xf32>
    %broadcast_in_dim3A_222 = vector.broadcast %jit3A_220 : f32 to vector<8x8xf32>
    %select_n3A_223 = arith.select %eq3A_218, %broadcast_in_dim3A_221, %broadcast_in_dim3A_222 : vector<8x8xi1>, vector<8x8xf32>
    %mul3A_224 = vector.broadcast %add3A_215 : vector<1x8xf32> to vector<8x8xf32>
    %mul3A_225 = arith.mulf %mul3A_224, %select_n3A_223 : vector<8x8xf32>
    %reduce_sum3A_226 = arith.constant dense<0.000000e+00> : vector<8xf32>
    %reduce_sum3A_227 = vector.multi_reduction <add>, %mul3A_225, %reduce_sum3A_226 [1] : vector<8x8xf32> to vector<8xf32>
    %broadcast_in_dim3A_228 = vector.shape_cast %reduce_sum3A_227 : vector<8xf32> to vector<8x1xf32>
    %iota3A_229 = tpu.iota {dimensions = array<i32: 1>} : vector<8x24xi32>
    %convert_element_type3A_230 = arith.sitofp %iota3A_229 : vector<8x24xi32> to vector<8x24xf32>
    %ge3A_231 = vector.broadcast %broadcast_in_dim3A_228 : vector<8x1xf32> to vector<8x24xf32>
    %ge3A_232 = arith.cmpf oge, %convert_element_type3A_230, %ge3A_231 : vector<8x24xf32>
    %jit3A_233 = arith.constant 1.000000e+00 : f32
    %jit3A_234 = arith.constant 0.000000e+00 : f32
    %broadcast_in_dim3A_235 = vector.broadcast %jit3A_233 : f32 to vector<8x24xf32>
    %broadcast_in_dim3A_236 = vector.broadcast %jit3A_234 : f32 to vector<8x24xf32>
    %select_n3A_237 = arith.select %ge3A_232, %broadcast_in_dim3A_235, %broadcast_in_dim3A_236 : vector<8x24xi1>, vector<8x24xf32>
    %reduce_sum3A_238 = arith.constant dense<0.000000e+00> : vector<24xf32>
    %reduce_sum3A_239 = vector.multi_reduction <add>, %select_n3A_237, %reduce_sum3A_238 [0] : vector<8x24xf32> to vector<24xf32>
    %broadcast_in_dim3A_240 = vector.shape_cast %reduce_sum3A_239 : vector<24xf32> to vector<1x24xf32>
    %min3A = arith.constant 7.000000e+00 : f32
    %min3A_241 = vector.broadcast %min3A : f32 to vector<1x24xf32>
    %min3A_242 = arith.minimumf %broadcast_in_dim3A_240, %min3A_241 : vector<1x24xf32>
    %convert_element_type3A_243 = arith.fptosi %min3A_242 : vector<1x24xf32> to vector<1x24xi32>
    %swap3A_244 = arith.constant 0 : index
    %swap3A_245 = arith.constant 0 : index
    %swap3A_246 = vector.load %arg4[%swap3A_244, %swap3A_245] : memref<2x24xi32, #tpu.memory_space<vmem>>, vector<1x24xi32>
    tpu.vector_store %arg4[%swap3A_244, %swap3A_245], %convert_element_type3A_243 {strides = array<i32>} : memref<2x24xi32, #tpu.memory_space<vmem>>, vector<1x24xi32>,
    %reduce_max3A_247 = vector.shape_cast %add3A_215 : vector<1x8xf32> to vector<1x1x8xf32>
    %reduce_max3A_248 = arith.constant dense<0xFF800000> : vector<1xf32>
    %reduce_max3A_249 = vector.multi_reduction <maximumf>, %reduce_max3A_247, %reduce_max3A_248 [1, 2] : vector<1x1x8xf32> to vector<1xf32>
    %reduce_max3A_250 = vector.shape_cast %reduce_max3A_249 : vector<1xf32> to vector<1x1x1xf32>
    %reduce_max3A_251 = vector.extract %reduce_max3A_250[0, 0, 0] : f32 from vector<1x1x1xf32>
    %iota3A_252 = tpu.iota {dimensions = array<i32: 1>} : vector<1x24xi32>
    %convert_element_type3A_253 = arith.sitofp %iota3A_252 : vector<1x24xi32> to vector<1x24xf32>
    %lt3A_254 = vector.broadcast %reduce_max3A_251 : f32 to vector<1x24xf32>
    %lt3A_255 = arith.cmpf olt, %convert_element_type3A_253, %lt3A_254 : vector<1x24xf32>
    %jit3A_256 = arith.constant 1 : i32
    %jit3A_257 = arith.constant 0 : i32
    %broadcast_in_dim3A_258 = vector.broadcast %jit3A_256 : i32 to vector<1x24xi32>
    %broadcast_in_dim3A_259 = vector.broadcast %jit3A_257 : i32 to vector<1x24xi32>
    %select_n3A_260 = arith.select %lt3A_255, %broadcast_in_dim3A_258, %broadcast_in_dim3A_259 : vector<1x24xi1>, vector<1x24xi32>
    %swap3A_261 = arith.constant 1 : index
    %swap3A_262 = arith.constant 0 : index
    %swap3A_263 = vector.load %arg4[%swap3A_261, %swap3A_262] : memref<2x24xi32, #tpu.memory_space<vmem>>, vector<1x24xi32>
    tpu.vector_store %arg4[%swap3A_261, %swap3A_262], %select_n3A_260 {strides = array<i32>} : memref<2x24xi32, #tpu.memory_space<vmem>>, vector<1x24xi32>,
    %get3A_264 = arith.constant 0 : index
    %get3A_265 = arith.constant 0 : index
    %get3A_266 = vector.load %arg0[%get3A_264, %get3A_265] : memref<2048x1024xf32, #tpu.memory_space<vmem>>, vector<2048x1024xf32>
    %slice3A_267 = vector.extract_strided_slice %get3A_266 {offsets = [0, 0], sizes = [2048, 512], strides = [1, 1]} : vector<2048x1024xf32> to vector<2048x512xf32>
    %slice3A_268 = vector.extract_strided_slice %get3A_266 {offsets = [0, 512], sizes = [2048, 512], strides = [1, 1]} : vector<2048x1024xf32> to vector<2048x512xf32>
    %bitcast_convert_type3A = tpu.bitcast %slice3A_268 : vector<2048x512xf32> -> vector<2048x512xi32>
    %shift_right_logical3A = arith.constant 16 : i32
    %shift_right_logical3A_269 = vector.broadcast %shift_right_logical3A : i32 to vector<2048x512xi32>
    %shift_right_logical3A_270 = arith.shrui %bitcast_convert_type3A, %shift_right_logical3A_269 : vector<2048x512xi32>
    %and3A = arith.constant 1 : i32
    %and3A_271 = vector.broadcast %and3A : i32 to vector<2048x512xi32>
    %and3A_272 = arith.andi %shift_right_logical3A_270, %and3A_271 : vector<2048x512xi32>
    %add3A_273 = arith.constant 32767 : i32
    %add3A_274 = vector.broadcast %add3A_273 : i32 to vector<2048x512xi32>
    %add3A_275 = arith.addi %bitcast_convert_type3A, %add3A_274 : vector<2048x512xi32>
    %add3A_276 = arith.addi %add3A_275, %and3A_272 : vector<2048x512xi32>
    %shift_right_logical3A_277 = arith.constant 16 : i32
    %shift_right_logical3A_278 = vector.broadcast %shift_right_logical3A_277 : i32 to vector<2048x512xi32>
    %shift_right_logical3A_279 = arith.shrui %add3A_276, %shift_right_logical3A_278 : vector<2048x512xi32>
    %shift_left3A = arith.constant 16 : i32
    %shift_left3A_280 = vector.broadcast %shift_left3A : i32 to vector<2048x512xi32>
    %shift_left3A_281 = arith.shli %shift_right_logical3A_279, %shift_left3A_280 : vector<2048x512xi32>
    %bitcast_convert_type3A_282 = tpu.bitcast %slice3A_267 : vector<2048x512xf32> -> vector<2048x512xi32>
    %shift_right_logical3A_283 = arith.constant 16 : i32
    %shift_right_logical3A_284 = vector.broadcast %shift_right_logical3A_283 : i32 to vector<2048x512xi32>
    %shift_right_logical3A_285 = arith.shrui %bitcast_convert_type3A_282, %shift_right_logical3A_284 : vector<2048x512xi32>
    %and3A_286 = arith.constant 1 : i32
    %and3A_287 = vector.broadcast %and3A_286 : i32 to vector<2048x512xi32>
    %and3A_288 = arith.andi %shift_right_logical3A_285, %and3A_287 : vector<2048x512xi32>
    %add3A_289 = arith.constant 32767 : i32
    %add3A_290 = vector.broadcast %add3A_289 : i32 to vector<2048x512xi32>
    %add3A_291 = arith.addi %bitcast_convert_type3A_282, %add3A_290 : vector<2048x512xi32>
    %add3A_292 = arith.addi %add3A_291, %and3A_288 : vector<2048x512xi32>
    %shift_right_logical3A_293 = arith.constant 16 : i32
    %shift_right_logical3A_294 = vector.broadcast %shift_right_logical3A_293 : i32 to vector<2048x512xi32>
    %shift_right_logical3A_295 = arith.shrui %add3A_292, %shift_right_logical3A_294 : vector<2048x512xi32>
    %or3A = arith.ori %shift_left3A_281, %shift_right_logical3A_295 : vector<2048x512xi32>
    %swap3A_296 = arith.constant 0 : index
    %swap3A_297 = arith.constant 0 : index
    %swap3A_298 = vector.load %arg5[%swap3A_296, %swap3A_297] : memref<2048x512xi32, #tpu.memory_space<vmem>>, vector<2048x512xi32>
    tpu.vector_store %arg5[%swap3A_296, %swap3A_297], %or3A {strides = array<i32>} : memref<2048x512xi32, #tpu.memory_space<vmem>>, vector<2048x512xi32>,
    return
  }
}

</mosaic_0001>

<sc_bundles>
// kernel: kernel.10.cloned.1.call-start
scs
__scs_entry_jumppad:
0x0: {  	(pc) =	sbr.rel $0x88, $3  }
0x1: {  	(tag) =	ssettag $0x0;
	lr =	simm.s32 $0x1  }
0x2: {  	[smem:$0x3F9B] =	sst lr;
	_ =	strace $0xD0000000  }
0x3: {  	_ = 	snop  }
0x4: {  	_ = 	snop  }
0x5: {  	_ = 	snop  }
0x6: {  	_ = 	snop  }
0x7: {  	_ = 	snop  }
__scs_overlays_trampoline_lowered:
0x8: {  	[smem:$0x3FAA] =	sst s0  }
0x9: {  	[smem:$0x3FAB] =	sst s1  }
0xa: {  	[smem:$0x3FAC] =	sst s2  }
0xb: {  	[smem:$0x3FAD] =	sst s3  }
0xc: {  	[smem:$0x3FAE] =	sst s4  }
0xd: {  	[smem:$0x3FAF] =	sst s5  }
0xe: {  	[smem:$0x3FB0] =	sst s6  }
0xf: {  	[smem:$0x3FB1] =	sst s7  }
0x10: {  	[smem:$0x3FB2] =	sst s8  }
0x11: {  	[smem:$0x3FB3] =	sst s9;
	s0 =	simm.s32 @!p0 $0x0  }
0x12: {  	s1 =	sld [smem:$0x3F99];
	s0 =	simm.s32 @p0 $0x1  }
0x13: {  	[smem:$0x3FB4] =	sst s0;
	s0 =	simm.s32 @!p1 $0x0  }
0x14: {  	s2 =	sld [smem:$0x3F98];
	s0 =	simm.s32 @p1 $0x1  }
0x15: {  	[smem:$0x3FB5] =	sst s0;
	s0 =	simm.s32 @!p2 $0x0  }
0x16: {  	s3 =	sld [smem:$0x3FDB];
	s0 =	simm.s32 @p2 $0x1  }
0x17: {  	s4 =	simm.s32 $0x1BF5;
	[smem:$0x3FB7] =	sst s0  }
0x18: {  	s0 =	sld [smem:$0x3F9A];
	_ =	swait.ge [sflag:s4], $0x0  }
0x19: {  	s7 =	sld [smem:$0x3F9B]  }
0x1a: {  	s8 =	sadd.s32 $0xFFFFE003, lr  }
0x1b: {  	s9 =	sadd.s32 $0xFFFFFEF7, lr;
	s5 =	simm.s32 $0xFFFFFFFF;
	p2 =	slt.u32 s8, $0xFFFFF086  }
0x1c: {  	p1 =	slt.u32 s9, $0xF7A;
	s5 =	simm.s32 @!p2 $0x0  }
0x1d: {  	s5 =	simm.s32 @p1 $0x1;
	p0 =	seq.s32 s7, s2  }
0x1e: {  	s7 =	smul.u32 @!p0 $0xF7A, s2;
	p2 =	seq.s32 @!p0 s5, $0x0  }
0x1f: {  	s9 =	smul.u32 $0xF7A, s1;
	s8 =	simm.s32 @!p0 $0x1BF5;
	p2 =	por !p2, p0  }
0x20: {  	[sflag:s8] =	ssyncset.s32 @!p0 $0xFFFFF086;
	s6 =	sadd.s32 @!p0 s3, s7;
	s7 =	simm.s32 @!p0 $0x108  }
0x21: {  	s3 =	sadd.s32 s3, s9;
	s6 =	sadd.s32 @!p0 $0x88, s6;
	s7 =	simm.s32 @p2 $0x1082  }
0x22: {  	[simem:s7], [sflag:s8] =	dma.local @!p0 [hbm:s6], $0xF7A  }
0x23: {  	s9 =	sor.u32 $0xD0000000, s2;
	s6 =	simm.s32 $0x108;
	_ =	swait.ge @!p0 [sflag:s8], $0x0  }
0x24: {  	s3 =	sadd.s32 $0x88, s3;
	s6 =	simm.s32 @!p1 $0x1082;
	[sflag:s4] =	ssyncset.s32 $0xFFFFF086  }
0x25: {  	[simem:s6], [sflag:s4] =	dma.local [hbm:s3], $0xF7A  }
0x26: {  	[smem:$0x3F9B] =	sst s1;
	(tag) =	ssettag s2;
	_ =	strace s9  }
0x27: {  	s1 =	sld [smem:$0x3FAB]  }
0x28: {  	s2 =	sld [smem:$0x3FAC]  }
0x29: {  	s4 =	sld [smem:$0x3FAE]  }
0x2a: {  	p0 =	seq.s32 s5, $0x0;
	s5 =	sld [smem:$0x3FAF]  }
0x2b: {  	s6 =	sld [smem:$0x3FB0]  }
0x2c: {  	s7 =	sld [smem:$0x3FB1]  }
0x2d: {  	s3 =	simm.s32 $0x108;
	s8 =	sld [smem:$0x3FB2]  }
0x2e: {  	s3 =	simm.s32 @!p0 $0x1082;
	s9 =	sld [smem:$0x3FB3]  }
0x2f: {  	lr =	sadd.s32 s0, s3;
	s0 =	sld [smem:$0x3FAA]  }
0x30: {  	s3 =	sld [smem:$0x3FAD]  }
0x31: {  	[smem:$0x3FB6] =	sst s10  }
0x32: {  	s10 =	sld [smem:$0x3FB4];
	_ =	sdelay $0x3  }
0x33: {  	p0 =	seq.s32 s10, $0x1;
	s10 =	sld [smem:$0x3FB6];
	_ =	sdelay $0x3  }
0x34: {  	[smem:$0x3FB6] =	sst s10  }
0x35: {  	s10 =	sld [smem:$0x3FB5];
	_ =	sdelay $0x3  }
0x36: {  	p1 =	seq.s32 s10, $0x1;
	s10 =	sld [smem:$0x3FB6];
	_ =	sdelay $0x3  }
0x37: {  	[smem:$0x3FB6] =	sst s10  }
0x38: {  	s10 =	sld [smem:$0x3FB7]  }
0x39: {  	_ = 	snop;
	(pc) =	sbr.ind lr, $3  }
0x3a: {  	_ = 	snop  }
0x3b: {  	_ = 	snop  }
0x3c: {  	p2 =	seq.s32 s10, $0x1;
	s10 =	sld [smem:$0x3FB6]  }
0x3d: {  	_ =	shalt  }
0x3e: {  	_ =	shalt  }
0x3f: {  	_ =	shalt  }
0x40: {  	_ =	shalt  }
0x41: {  	_ =	shalt  }
0x42: {  	_ =	shalt  }
0x43: {  	_ =	shalt  }
0x44: {  	_ =	shalt  }
0x45: {  	_ =	shalt  }
0x46: {  	_ =	shalt  }
0x47: {  	_ =	shalt  }
0x48: {  	_ =	shalt  }
0x49: {  	_ =	shalt  }
0x4a: {  	_ =	shalt  }
0x4b: {  	_ =	shalt  }
0x4c: {  	_ =	shalt  }
0x4d: {  	_ =	shalt  }
0x4e: {  	_ =	shalt  }
0x4f: {  	_ =	shalt  }
0x50: {  	_ =	shalt  }
0x51: {  	_ =	shalt  }
0x52: {  	_ =	shalt  }
0x53: {  	_ =	shalt  }
0x54: {  	_ =	shalt  }
0x55: {  	_ =	shalt  }
0x56: {  	_ =	shalt  }
0x57: {  	_ =	shalt  }
0x58: {  	_ =	shalt  }
0x59: {  	_ =	shalt  }
0x5a: {  	_ =	shalt  }
0x5b: {  	_ =	shalt  }
0x5c: {  	_ =	shalt  }
0x5d: {  	_ =	shalt  }
0x5e: {  	_ =	shalt  }
0x5f: {  	_ =	shalt  }
0x60: {  	_ =	shalt  }
0x61: {  	_ =	shalt  }
0x62: {  	_ =	shalt  }
0x63: {  	_ =	shalt  }
0x64: {  	_ =	shalt  }
0x65: {  	_ =	shalt  }
0x66: {  	_ =	shalt  }
0x67: {  	_ =	shalt  }
0x68: {  	_ =	shalt  }
0x69: {  	_ =	shalt  }
0x6a: {  	_ =	shalt  }
0x6b: {  	_ =	shalt  }
0x6c: {  	_ =	shalt  }
0x6d: {  	_ =	shalt  }
0x6e: {  	_ =	shalt  }
0x6f: {  	_ =	shalt  }
0x70: {  	_ =	shalt  }
0x71: {  	_ =	shalt  }
0x72: {  	_ =	shalt  }
0x73: {  	_ =	shalt  }
0x74: {  	_ =	shalt  }
0x75: {  	_ =	shalt  }
0x76: {  	_ =	shalt  }
0x77: {  	_ =	shalt  }
0x78: {  	_ =	shalt  }
0x79: {  	_ =	shalt  }
0x7a: {  	_ =	shalt  }
0x7b: {  	_ =	shalt  }
0x7c: {  	_ =	shalt  }
0x7d: {  	_ =	shalt  }
0x7e: {  	_ =	shalt  }
0x7f: {  	_ =	shalt  }
0x80: {  	_ =	shalt  }
0x81: {  	_ =	shalt  }
0x82: {  	_ =	shalt  }
0x83: {  	_ =	shalt  }
0x84: {  	_ =	shalt  }
0x85: {  	_ =	shalt  }
0x86: {  	_ =	shalt  }
0x87: {  	_ =	shalt  }
.Lfunc_end0:
.L_simem_size_0:
called_computation.1_lowered:
.L_overlay_start_0:
0x88: {  	s2 =	sld [smem:$0x3FD9]  }
0x89: {  	s3 =	sld [smem:$0x3FFE];
	_ =	sdelay $0x1  }
0x8a: {  	s1 =	srdreg.scid  }
0x8b: {  	s0 =	sand.u32 $0x1, s1  }
0x8c: {  	s16 =	sshll.u32 s0, $0xA;
	s2 =	sadd.s32 s3, s2  }
0x8d: {  	s2 =	sadd.s32 s2, s16  }
0x8e: {  	[smem:$0x3FC2] =	sst s2  }
0x8f: {  	_ = 	snop  }
0x90: {  	(tm) =	ssettm $0x1  }
0x91: {  	s17 =	sld [smem:$0x3FFB];
	_ =	sdelay $0x3  }
0x92: {  	_ =	strace s17  }
0x93: {  	s2 =	sld [smem:$0x3FFC];
	_ =	sdelay $0x3  }
0x94: {  	_ =	strace s2  }
0x95: {  	s2 =	sld [smem:$0x3FFD];
	_ =	sdelay $0x3  }
0x96: {  	_ =	strace s2  }
0x97: {  	_ =	strace $0x8FFFFFFF  }
0x98: {  	s18 =	sld [smem:$0x3FDB];
	_ =	sdelay $0x1  }
0x99: {  	s19 =	simm.s32 $_scs_section_size  }
0x9a: {  	s4 =	simm.s32 $_size__tile_overlayer_lowered;
	s5 =	simm.s32 $_tile_overlayer_lowered  }
0x9b: {  	s22 =	simm.s32 $0x1BFF;
	s21 =	sshll.u32 s5, $0x1;
	s2 =	sadd.s32 s19, s18  }
0x9c: {  	s6 =	simm.s32 $0x0;
	s20 =	sshll.u32 s4, $0x1;
	s4 =	sadd.s32 s21, s2  }
0x9d: {  	[timem:s6], [sflag:s22] =	dma.local [hbm:s4], s20  }
0x9e: {  	_ =	swait.ge [sflag:s22], s20  }
0x9f: {  	s3 =	ssub.s32 $0x0, s20;
	[sflag:s22] =	ssyncset.done $0x0  }
0xa0: {  	[sflag:s22] =	ssyncadd.s32 s3;
	_ =	sdelay $0x1  }
0xa1: {  	s23 =	simm.s32 $0x1B8B  }
0xa2: {  	_ =	swait.ge [sflag:s23], $0x1  }
0xa3: {  	[sflag:s23] =	ssyncset.done $0x0  }
0xa4: {  	s25 =	simm.s32 $0x1B8E;
	s24 =	sld [smem:$0x3FFE];
	[sflag:s23] =	ssyncadd.s32 $0xFFFFFFFF  }
0xa5: {  	s26 =	simm.s32 $execute0_lowered;
	[smem:$0x3FD2] =	sst s25  }
0xa6: {  	s4 =	sshll.u32 s26, $0x1;
	_ =	strace $0x80000049;
	[dreg:$0x1] =	wrdreg $0xFFFFFFFF  }
0xa7: {  	s28 =	simm.s32 $_size_execute0_lowered;
	s2 =	sadd.s32 s2, s4;
	[dreg:$0x0] =	wrdreg $0x0  }
0xa8: {  	s4 =	sshll.u32 s28, $0x1;
	[dreg:$0x2] =	wrdreg s2  }
0xa9: {  	[dreg:$0x3] =	wrdreg s4  }
0xaa: {  	[dreg:$0x4] =	wrdreg $0xC0  }
0xab: {  	_ =	task [dreg:s6], $0x5FFFF  }
0xac: {  	[dreg:$0x1] =	wrdreg $0xFFFFFFFF  }
0xad: {  	[dreg:$0x0] =	wrdreg $0x60  }
0xae: {  	[dreg:$0x2] =	wrdreg s24  }
0xaf: {  	[dreg:$0x3] =	wrdreg $0x9  }
0xb0: {  	_ =	task.clear_ibuf [dreg:s6], $0x4FFFF;
	_ =	strace $0x90000049  }
0xb1: {  	s29 =	simm.s32 $0x9;
	_ =	strace $0x8000004B  }
0xb2: {  	_ =	swait.ge [sflag:s29], $0x1  }
0xb3: {  	[sflag:s29] =	ssyncadd.s32 $0xFFFFFFFF  }
0xb4: {  	_ =	strace $0x9000004B  }
0xb5: {  	_ =	sfence  }
0xb6: {  	s30 =	sld [smem:$0x0];
	_ =	sdelay $0x2  }
0xb7: {  	s31 =	sshll.u32 s1, $0xD;
	s1 =	sshrl.u32 s1, $0x2  }
0xb8: {  	s3 =	sand.u32 $0x4000, s31;
	s1 =	sadd.s32 s1, s30  }
0xb9: {  	s0 =	sor.u32 s3, s0;
	s1 =	sshll.u32 s1, $0x11  }
0xba: {  	s0 =	sor.u32 s1, s0  }
0xbb: {  	s0 =	sadd.s32 $0x8F2B, s0  }
0xbc: {  	[sflag:s0] =	ssyncadd.remote.s32 $0x1  }
0xbd: {  	_ =	sfence.sel $0xFFFF  }
0xbe: {  	[dreg:$0x0] =	wrdreg $0xFFFFFFFF;
	(pc) =	sbr.abs _section_cstart, $3  }
0xbf: {  	[dreg:$0x1] =	wrdreg $0xFFFFFFFF  }
0xc0: {  	_ =	task.clear_ibuf [dreg:s6], $0x2FFFF;
	_ =	strace $0x9FFFFFFF  }
0xc1: {  	(tm) =	ssettm $0x7FFFFFFF  }
tec
execute0_lowered:
.L_overlay_start_1:
0x0: {  	(tag) =	ssettag $0x1  }
0x1: {  	s5 =	rddreg [dreg:$0x0];
	s2 =	srdreg.scid  }
0x2: {  	s0 =	rddreg [dreg:$0x1];
	s1 =	stileid.u32  }
0x3: {  	s12 =	simm.s32 $0x880;
	s13 =	simm.s32 $0x1080;
	s14 =	simm.s32 $0x1880  }
0x4: {  	s15 =	simm.s32 $0x2080;
	s16 =	simm.s32 $0x2880;
	s17 =	simm.s32 $0x3080  }
0x5: {  	s18 =	simm.s32 $0x3880;
	s19 =	simm.s32 $0x4080;
	s20 =	simm.s32 $0x4880  }
0x6: {  	s21 =	simm.s32 $0x5080;
	s22 =	simm.s32 $0x5880;
	s23 =	simm.s32 $0x6080  }
0x7: {  	s24 =	simm.s32 $0x6880;
	s25 =	simm.s32 $0x7080;
	s26 =	simm.s32 $0x7880  }
0x8: {  	s28 =	simm.s32 $0x1;
	s4 =	sand.u32 $0x1, s2;
	s2 =	simm.s32 $0x0  }
0x9: {  	s3 =	sshll.u32 s1, $0x7;
	s9 =	sadd.s32 $0x1E00, s5;
	s6 =	sshll.u32 s4, $0x6  }
0xa: {  	[smem:$0x7FF] =	sst s2;
	s4 =	ssub.s32 $0x2, s4;
	s7 =	sor.u32 s6, s3  }
0xb: {  	_ =	strace $0x8000004A;
	s3 =	sadd.s32 $0x2000, s5;
	s8 =	sshll.u32 s7, $0x1  }
0xc: {  	s30 =	sshrl.u32 s4, $0x1;
	s7 =	sshll.u32 s7, $0x6;
	s10 =	sand.u32 $0xF00, s8  }
0xd: {  	s11 =	sadd.s32 s7, s5;
	s5 =	sadd.s32 $0x2100, s5;
	s29 =	sor.u32 s6, s10  }
0xe: {  	s6 =	sor.u32 s6, s8;
	s10 =	ssub.s32 s4, s30;
	s8 =	sadd.s32 $0x82000, s11  }
0xf: {  	v2 =	vlaneseq.u32;
	s7 =	sshrl.u32 s29, $0x3;
	s31 =	sshrl.u32 s6, $0x3;
	s6 =	sadd.s32 $0x62000, s11  }
0x10: {  	vm0 =	vmmov $0xffff;
	v1 =	vshrl.u32 v2, $0x3;
	s11 =	simm.s32 $0x80;
	s4 =	sadd.s32 s9, s7;
	s7 =	sor.u32 $0x10, s31  }
0x11: {  	v0 =	vand.u32 $0x7, v2;
	v2 =	vor.u32 $0x8, v2;
	v1 =	vmul.u32 $0x8, v1;
	s7 =	sadd.s32 s9, s7;
	s9 =	smax.u32 s10, $0x1;
	s10 =	simm.s32 $0x2  }
.LBB2_1:
0x12: {  	[tilespmem:s2], [sflag:$0x2] =	stream.linear.gather [hbm4b:s4+s2], $0x40, $0x38;
	[tilespmem:$0x8080] =	vst v63  }
0x13: {  	_ =	swait.ge [sflag:s10], $0x40  }
0x14: {  	[sflag:s10] =	ssyncset.done $0x0  }
0x15: {  	[sflag:s10] =	ssyncadd.s32 $0xFFFFFFC0  }
0x16: {  	v3 =	vld [tilespmem:$0x0];
	_ =	sdelay $0x4  }
0x17: {  	v4 =	vshll.u32 v3, $0x2  }
0x18: {  	v3 =	vand.u32 $0x7, v3;
	v4 =	vand.u32 $0xFFFFFFE0, v4  }
0x19: {  	v3 =	vor.u32 v3, v4  }
0x1a: {  	v4 =	vperm.xlane v3, v0;
	_ =	sdelay $0x1  }
0x1b: {  	v4 =	vadd.s32 v1, v4;
	_ =	sdelay $0x1  }
0x1c: {  	v3 =	vperm.xlane v3, v2;
	_ =	sdelay $0x1  }
0x1d: {  	v3 =	vadd.s32 v1, v3  }
0x1e: {  	[tilespmem:s11], [sflag:$0x1] =	stream.indirect_vreg.gather [hbm4b:s3+s2], $0x80, v4, vm0, $0xb8;
	[tilespmem:$0x8080] =	vst v63  }
0x1f: {  	_ = 	snop  }
0x20: {  	[tilespmem:s12], [sflag:$0x1] =	stream.indirect_vreg.gather [hbm4b:s5+s2], $0x80, v4, vm0, $0xb8;
	[tilespmem:$0x8080] =	vst v63  }
0x21: {  	_ = 	snop  }
0x22: {  	[tilespmem:s13], [sflag:$0x1] =	stream.indirect_vreg.gather [hbm4b:s3+s2], $0x80, v3, vm0, $0xb8;
	[tilespmem:$0x8080] =	vst v63  }
0x23: {  	_ = 	snop  }
0x24: {  	[tilespmem:s14], [sflag:$0x1] =	stream.indirect_vreg.gather [hbm4b:s5+s2], $0x80, v3, vm0, $0xb8;
	[tilespmem:$0x8080] =	vst v63  }
0x25: {  	v3 =	vld [tilespmem:$0x10];
	_ =	sdelay $0x4  }
0x26: {  	v57 =	vshll.u32 v3, $0x2  }
0x27: {  	v3 =	vand.u32 $0x7, v3;
	v4 =	vand.u32 $0xFFFFFFE0, v57  }
0x28: {  	v3 =	vor.u32 v3, v4  }
0x29: {  	v4 =	vperm.xlane v3, v0;
	_ =	sdelay $0x1  }
0x2a: {  	v4 =	vadd.s32 v1, v4;
	_ =	sdelay $0x1  }
0x2b: {  	v3 =	vperm.xlane v3, v2;
	_ =	sdelay $0x1  }
0x2c: {  	v3 =	vadd.s32 v1, v3  }
0x2d: {  	[tilespmem:s15], [sflag:$0x1] =	stream.indirect_vreg.gather [hbm4b:s3+s2], $0x80, v4, vm0, $0xb8;
	[tilespmem:$0x8080] =	vst v63  }
0x2e: {  	_ = 	snop  }
0x2f: {  	[tilespmem:s16], [sflag:$0x1] =	stream.indirect_vreg.gather [hbm4b:s5+s2], $0x80, v4, vm0, $0xb8;
	[tilespmem:$0x8080] =	vst v63  }
0x30: {  	_ = 	snop  }
0x31: {  	[tilespmem:s17], [sflag:$0x1] =	stream.indirect_vreg.gather [hbm4b:s3+s2], $0x80, v3, vm0, $0xb8;
	[tilespmem:$0x8080] =	vst v63  }
0x32: {  	_ = 	snop  }
0x33: {  	[tilespmem:s18], [sflag:$0x1] =	stream.indirect_vreg.gather [hbm4b:s5+s2], $0x80, v3, vm0, $0xb8;
	[tilespmem:$0x8080] =	vst v63  }
0x34: {  	v3 =	vld [tilespmem:$0x20];
	_ =	sdelay $0x4  }
0x35: {  	v58 =	vshll.u32 v3, $0x2  }
0x36: {  	v3 =	vand.u32 $0x7, v3;
	v4 =	vand.u32 $0xFFFFFFE0, v58  }
0x37: {  	v3 =	vor.u32 v3, v4  }
0x38: {  	v4 =	vperm.xlane v3, v0;
	_ =	sdelay $0x1  }
0x39: {  	v4 =	vadd.s32 v1, v4;
	_ =	sdelay $0x1  }
0x3a: {  	v3 =	vperm.xlane v3, v2;
	_ =	sdelay $0x1  }
0x3b: {  	v3 =	vadd.s32 v1, v3  }
0x3c: {  	[tilespmem:s19], [sflag:$0x1] =	stream.indirect_vreg.gather [hbm4b:s3+s2], $0x80, v4, vm0, $0xb8;
	[tilespmem:$0x8080] =	vst v63  }
0x3d: {  	_ = 	snop  }
0x3e: {  	[tilespmem:s20], [sflag:$0x1] =	stream.indirect_vreg.gather [hbm4b:s5+s2], $0x80, v4, vm0, $0xb8;
	[tilespmem:$0x8080] =	vst v63  }
0x3f: {  	_ = 	snop  }
0x40: {  	[tilespmem:s21], [sflag:$0x1] =	stream.indirect_vreg.gather [hbm4b:s3+s2], $0x80, v3, vm0, $0xb8;
	[tilespmem:$0x8080] =	vst v63  }
0x41: {  	_ = 	snop  }
0x42: {  	[tilespmem:s22], [sflag:$0x1] =	stream.indirect_vreg.gather [hbm4b:s5+s2], $0x80, v3, vm0, $0xb8;
	[tilespmem:$0x8080] =	vst v63  }
0x43: {  	v3 =	vld [tilespmem:$0x30];
	_ =	sdelay $0x4  }
0x44: {  	v59 =	vshll.u32 v3, $0x2  }
0x45: {  	v3 =	vand.u32 $0x7, v3;
	v4 =	vand.u32 $0xFFFFFFE0, v59  }
0x46: {  	v3 =	vor.u32 v3, v4  }
0x47: {  	v4 =	vperm.xlane v3, v0;
	_ =	sdelay $0x1  }
0x48: {  	v4 =	vadd.s32 v1, v4;
	_ =	sdelay $0x1  }
0x49: {  	v3 =	vperm.xlane v3, v2;
	_ =	sdelay $0x1  }
0x4a: {  	v3 =	vadd.s32 v1, v3  }
0x4b: {  	[tilespmem:s23], [sflag:$0x1] =	stream.indirect_vreg.gather [hbm4b:s3+s2], $0x80, v4, vm0, $0xb8;
	[tilespmem:$0x8080] =	vst v63  }
0x4c: {  	_ = 	snop  }
0x4d: {  	[tilespmem:s24], [sflag:$0x1] =	stream.indirect_vreg.gather [hbm4b:s5+s2], $0x80, v4, vm0, $0xb8;
	[tilespmem:$0x8080] =	vst v63  }
0x4e: {  	_ = 	snop  }
0x4f: {  	[tilespmem:s25], [sflag:$0x1] =	stream.indirect_vreg.gather [hbm4b:s3+s2], $0x80, v3, vm0, $0xb8;
	[tilespmem:$0x8080] =	vst v63  }
0x50: {  	_ = 	snop  }
0x51: {  	[tilespmem:s26], [sflag:$0x1] =	stream.indirect_vreg.gather [hbm4b:s5+s2], $0x80, v3, vm0, $0xb8;
	[tilespmem:$0x8080] =	vst v63  }
0x52: {  	_ =	swait.ge [sflag:s28], $0x8000  }
0x53: {  	[sflag:s28] =	ssyncset.done $0x0  }
0x54: {  	[sflag:s28] =	ssyncadd.s32 $0xFFFF8000  }
0x55: {  	[hbm4b:s6+s2] =	stream.linear.scatter [tilespmem:s11], [sflag:$0x2], $0x8000, $0x38;
	[tilespmem:$0x8080] =	vst v63  }
0x56: {  	_ =	swait.ge [sflag:s10], $0x8000  }
0x57: {  	[sflag:s10] =	ssyncset.done $0x0  }
0x58: {  	[sflag:s10] =	ssyncadd.s32 $0xFFFF8000  }
0x59: {  	[tilespmem:s2], [sflag:$0x2] =	stream.linear.gather [hbm4b:s7+s2], $0x40, $0x38;
	[tilespmem:$0x8080] =	vst v63  }
0x5a: {  	_ =	swait.ge [sflag:s10], $0x40  }
0x5b: {  	[sflag:s10] =	ssyncset.done $0x0  }
0x5c: {  	[sflag:s10] =	ssyncadd.s32 $0xFFFFFFC0  }
0x5d: {  	v3 =	vld [tilespmem:$0x0];
	_ =	sdelay $0x4  }
0x5e: {  	v60 =	vshll.u32 v3, $0x2  }
0x5f: {  	v3 =	vand.u32 $0x7, v3;
	v4 =	vand.u32 $0xFFFFFFE0, v60  }
0x60: {  	v3 =	vor.u32 v3, v4  }
0x61: {  	v4 =	vperm.xlane v3, v0;
	_ =	sdelay $0x1  }
0x62: {  	v4 =	vadd.s32 v1, v4;
	_ =	sdelay $0x1  }
0x63: {  	v3 =	vperm.xlane v3, v2;
	_ =	sdelay $0x1  }
0x64: {  	v3 =	vadd.s32 v1, v3  }
0x65: {  	[tilespmem:s11], [sflag:$0x1] =	stream.indirect_vreg.gather [hbm4b:s3+s2], $0x80, v4, vm0, $0xb8;
	[tilespmem:$0x8080] =	vst v63  }
0x66: {  	_ = 	snop  }
0x67: {  	[tilespmem:s12], [sflag:$0x1] =	stream.indirect_vreg.gather [hbm4b:s5+s2], $0x80, v4, vm0, $0xb8;
	[tilespmem:$0x8080] =	vst v63  }
0x68: {  	_ = 	snop  }
0x69: {  	[tilespmem:s13], [sflag:$0x1] =	stream.indirect_vreg.gather [hbm4b:s3+s2], $0x80, v3, vm0, $0xb8;
	[tilespmem:$0x8080] =	vst v63  }
0x6a: {  	_ = 	snop  }
0x6b: {  	[tilespmem:s14], [sflag:$0x1] =	stream.indirect_vreg.gather [hbm4b:s5+s2], $0x80, v3, vm0, $0xb8;
	[tilespmem:$0x8080] =	vst v63  }
0x6c: {  	v3 =	vld [tilespmem:$0x10];
	_ =	sdelay $0x4  }
0x6d: {  	v61 =	vshll.u32 v3, $0x2  }
0x6e: {  	v3 =	vand.u32 $0x7, v3;
	v4 =	vand.u32 $0xFFFFFFE0, v61  }
0x6f: {  	v3 =	vor.u32 v3, v4  }
0x70: {  	v4 =	vperm.xlane v3, v0;
	_ =	sdelay $0x1  }
0x71: {  	v4 =	vadd.s32 v1, v4;
	_ =	sdelay $0x1  }
0x72: {  	v3 =	vperm.xlane v3, v2;
	_ =	sdelay $0x1  }
0x73: {  	v3 =	vadd.s32 v1, v3  }
0x74: {  	[tilespmem:s15], [sflag:$0x1] =	stream.indirect_vreg.gather [hbm4b:s3+s2], $0x80, v4, vm0, $0xb8;
	[tilespmem:$0x8080] =	vst v63  }
0x75: {  	_ = 	snop  }
0x76: {  	[tilespmem:s16], [sflag:$0x1] =	stream.indirect_vreg.gather [hbm4b:s5+s2], $0x80, v4, vm0, $0xb8;
	[tilespmem:$0x8080] =	vst v63  }
0x77: {  	_ = 	snop  }
0x78: {  	[tilespmem:s17], [sflag:$0x1] =	stream.indirect_vreg.gather [hbm4b:s3+s2], $0x80, v3, vm0, $0xb8;
	[tilespmem:$0x8080] =	vst v63  }
0x79: {  	_ = 	snop  }
0x7a: {  	[tilespmem:s18], [sflag:$0x1] =	stream.indirect_vreg.gather [hbm4b:s5+s2], $0x80, v3, vm0, $0xb8;
	[tilespmem:$0x8080] =	vst v63  }
0x7b: {  	v3 =	vld [tilespmem:$0x20];
	_ =	sdelay $0x4  }
0x7c: {  	v62 =	vshll.u32 v3, $0x2  }
0x7d: {  	v3 =	vand.u32 $0x7, v3;
	v4 =	vand.u32 $0xFFFFFFE0, v62  }
0x7e: {  	v3 =	vor.u32 v3, v4  }
0x7f: {  	v4 =	vperm.xlane v3, v0;
	_ =	sdelay $0x1  }
0x80: {  	v4 =	vadd.s32 v1, v4;
	_ =	sdelay $0x1  }
0x81: {  	v3 =	vperm.xlane v3, v2;
	_ =	sdelay $0x1  }
0x82: {  	v3 =	vadd.s32 v1, v3  }
0x83: {  	[tilespmem:s19], [sflag:$0x1] =	stream.indirect_vreg.gather [hbm4b:s3+s2], $0x80, v4, vm0, $0xb8;
	[tilespmem:$0x8080] =	vst v63  }
0x84: {  	_ = 	snop  }
0x85: {  	[tilespmem:s20], [sflag:$0x1] =	stream.indirect_vreg.gather [hbm4b:s5+s2], $0x80, v4, vm0, $0xb8;
	[tilespmem:$0x8080] =	vst v63  }
0x86: {  	_ = 	snop  }
0x87: {  	[tilespmem:s21], [sflag:$0x1] =	stream.indirect_vreg.gather [hbm4b:s3+s2], $0x80, v3, vm0, $0xb8;
	[tilespmem:$0x8080] =	vst v63  }
0x88: {  	_ = 	snop  }
0x89: {  	[tilespmem:s22], [sflag:$0x1] =	stream.indirect_vreg.gather [hbm4b:s5+s2], $0x80, v3, vm0, $0xb8;
	[tilespmem:$0x8080] =	vst v63  }
0x8a: {  	v3 =	vld [tilespmem:$0x30];
	_ =	sdelay $0x4  }
0x8b: {  	v63 =	vshll.u32 v3, $0x2  }
0x8c: {  	v3 =	vand.u32 $0x7, v3;
	v4 =	vand.u32 $0xFFFFFFE0, v63  }
0x8d: {  	v3 =	vor.u32 v3, v4  }
0x8e: {  	v4 =	vperm.xlane v3, v0;
	_ =	sdelay $0x1  }
0x8f: {  	v4 =	vadd.s32 v1, v4;
	_ =	sdelay $0x1  }
0x90: {  	v3 =	vperm.xlane v3, v2;
	_ =	sdelay $0x1  }
0x91: {  	v3 =	vadd.s32 v1, v3  }
0x92: {  	[tilespmem:s23], [sflag:$0x1] =	stream.indirect_vreg.gather [hbm4b:s3+s2], $0x80, v4, vm0, $0xb8;
	[tilespmem:$0x8080] =	vst v63  }
0x93: {  	_ = 	snop  }
0x94: {  	[tilespmem:s24], [sflag:$0x1] =	stream.indirect_vreg.gather [hbm4b:s5+s2], $0x80, v4, vm0, $0xb8;
	[tilespmem:$0x8080] =	vst v63  }
0x95: {  	_ = 	snop  }
0x96: {  	[tilespmem:s25], [sflag:$0x1] =	stream.indirect_vreg.gather [hbm4b:s3+s2], $0x80, v3, vm0, $0xb8;
	[tilespmem:$0x8080] =	vst v63  }
0x97: {  	_ = 	snop  }
0x98: {  	[tilespmem:s26], [sflag:$0x1] =	stream.indirect_vreg.gather [hbm4b:s5+s2], $0x80, v3, vm0, $0xb8;
	[tilespmem:$0x8080] =	vst v63  }
0x99: {  	_ =	swait.ge [sflag:s28], $0x8000  }
0x9a: {  	p0 =	sne.s32 s9, $0x1;
	[sflag:s28] =	ssyncset.done $0x0  }
.Ltmp0:
0x9b: {  	[sflag:s28] =	ssyncadd.s32 $0xFFFF8000;
	(pc) =	sbr.rel @p0 .LBB2_1-.Ltmp0, $4  }
0x9c: {  	[hbm4b:s8+s2] =	stream.linear.scatter [tilespmem:s11], [sflag:$0x2], $0x8000, $0x38;
	[tilespmem:$0x8080] =	vst v63  }
0x9d: {  	_ =	swait.ge [sflag:s10], $0x8000  }
0x9e: {  	[sflag:s10] =	ssyncset.done $0x0  }
0x9f: {  	s9 =	sadd.s32 $0xFFFFFFFF, s9;
	[sflag:s10] =	ssyncadd.s32 $0xFFFF8000  }
0xa0: {  	_ =	sfence.sel $0x180000  }
0xa1: {  	[bflag:$0x0] =	sbarrier.arrive $0xFFFF  }
0xa2: {  	p0 =	sne.s32 s1, $0x0;
	_ =	strace $0x9000004A  }
0xa3: {  	s0 =	sadd.s32 @!p0 $0x100000, s0;
	[bflag:$0x2] =	sbarrier.arrive $0xFFFF  }
0xa4: {  	[sflag:s0] =	ssyncadd.tile.s32 @!p0 $0x1;
	_ =	shalt  }
.Lfunc_end2:
_tile_overlayer_lowered:
.L_overlay_start_2:
0xa5: {  	(tag) =	ssettag $0x2  }
0xa6: {  	s0 =	rddreg [dreg:$0x0];
	s2 =	stileid.u32  }
0xa7: {  	s1 =	rddreg [dreg:$0x1];
	p0 =	sne.s32 s2, $0x0  }
0xa8: {  	s3 =	rddreg [dreg:$0x2];
	[bflag:$0x3] =	sbarrier.arrive $0xFFFF;
	s2 =	simm.s32 @!p0 $0x1C02  }
0xa9: {  	[timem:s3], [sflag:s2] =	dma.local @!p0 [hbm:s0], s1  }
0xaa: {  	s0 =	simm.s32 @!p0 $0x2  }
0xab: {  	_ =	swait.ge @!p0 [sflag:s0], s1  }
0xac: {  	s1 =	ssub.s32 @!p0 $0x0, s1;
	[sflag:s0] =	ssyncset.done @!p0 $0x0  }
0xad: {  	[sflag:s0] =	ssyncadd.s32 @!p0 s1  }
0xae: {  	[bflag:$0x3] =	sbarrier.arrive $0xFFFF  }
0xaf: {  	_ =	shalt  }

// kernel: kernel.7.cloned.1.call-start
scs
__scs_entry_jumppad:
0x0: {  	(pc) =	sbr.rel $0x88, $3  }
0x1: {  	(tag) =	ssettag $0x0;
	lr =	simm.s32 $0x1  }
0x2: {  	[smem:$0x3F9B] =	sst lr;
	_ =	strace $0xD0000000  }
0x3: {  	_ = 	snop  }
0x4: {  	_ = 	snop  }
0x5: {  	_ = 	snop  }
0x6: {  	_ = 	snop  }
0x7: {  	_ = 	snop  }
__scs_overlays_trampoline_lowered:
0x8: {  	[smem:$0x3FAA] =	sst s0  }
0x9: {  	[smem:$0x3FAB] =	sst s1  }
0xa: {  	[smem:$0x3FAC] =	sst s2  }
0xb: {  	[smem:$0x3FAD] =	sst s3  }
0xc: {  	[smem:$0x3FAE] =	sst s4  }
0xd: {  	[smem:$0x3FAF] =	sst s5  }
0xe: {  	[smem:$0x3FB0] =	sst s6  }
0xf: {  	[smem:$0x3FB1] =	sst s7  }
0x10: {  	[smem:$0x3FB2] =	sst s8  }
0x11: {  	[smem:$0x3FB3] =	sst s9;
	s0 =	simm.s32 @!p0 $0x0  }
0x12: {  	s1 =	sld [smem:$0x3F99];
	s0 =	simm.s32 @p0 $0x1  }
0x13: {  	[smem:$0x3FB4] =	sst s0;
	s0 =	simm.s32 @!p1 $0x0  }
0x14: {  	s2 =	sld [smem:$0x3F98];
	s0 =	simm.s32 @p1 $0x1  }
0x15: {  	[smem:$0x3FB5] =	sst s0;
	s0 =	simm.s32 @!p2 $0x0  }
0x16: {  	s3 =	sld [smem:$0x3FDB];
	s0 =	simm.s32 @p2 $0x1  }
0x17: {  	s4 =	simm.s32 $0x1BF5;
	[smem:$0x3FB7] =	sst s0  }
0x18: {  	s0 =	sld [smem:$0x3F9A];
	_ =	swait.ge [sflag:s4], $0x0  }
0x19: {  	s7 =	sld [smem:$0x3F9B]  }
0x1a: {  	s8 =	sadd.s32 $0xFFFFE003, lr  }
0x1b: {  	s9 =	sadd.s32 $0xFFFFFEF7, lr;
	s5 =	simm.s32 $0xFFFFFFFF;
	p2 =	slt.u32 s8, $0xFFFFF086  }
0x1c: {  	p1 =	slt.u32 s9, $0xF7A;
	s5 =	simm.s32 @!p2 $0x0  }
0x1d: {  	s5 =	simm.s32 @p1 $0x1;
	p0 =	seq.s32 s7, s2  }
0x1e: {  	s7 =	smul.u32 @!p0 $0xF7A, s2;
	p2 =	seq.s32 @!p0 s5, $0x0  }
0x1f: {  	s9 =	smul.u32 $0xF7A, s1;
	s8 =	simm.s32 @!p0 $0x1BF5;
	p2 =	por !p2, p0  }
0x20: {  	[sflag:s8] =	ssyncset.s32 @!p0 $0xFFFFF086;
	s6 =	sadd.s32 @!p0 s3, s7;
	s7 =	simm.s32 @!p0 $0x108  }
0x21: {  	s3 =	sadd.s32 s3, s9;
	s6 =	sadd.s32 @!p0 $0x88, s6;
	s7 =	simm.s32 @p2 $0x1082  }
0x22: {  	[simem:s7], [sflag:s8] =	dma.local @!p0 [hbm:s6], $0xF7A  }
0x23: {  	s9 =	sor.u32 $0xD0000000, s2;
	s6 =	simm.s32 $0x108;
	_ =	swait.ge @!p0 [sflag:s8], $0x0  }
0x24: {  	s3 =	sadd.s32 $0x88, s3;
	s6 =	simm.s32 @!p1 $0x1082;
	[sflag:s4] =	ssyncset.s32 $0xFFFFF086  }
0x25: {  	[simem:s6], [sflag:s4] =	dma.local [hbm:s3], $0xF7A  }
0x26: {  	[smem:$0x3F9B] =	sst s1;
	(tag) =	ssettag s2;
	_ =	strace s9  }
0x27: {  	s1 =	sld [smem:$0x3FAB]  }
0x28: {  	s2 =	sld [smem:$0x3FAC]  }
0x29: {  	s4 =	sld [smem:$0x3FAE]  }
0x2a: {  	p0 =	seq.s32 s5, $0x0;
	s5 =	sld [smem:$0x3FAF]  }
0x2b: {  	s6 =	sld [smem:$0x3FB0]  }
0x2c: {  	s7 =	sld [smem:$0x3FB1]  }
0x2d: {  	s3 =	simm.s32 $0x108;
	s8 =	sld [smem:$0x3FB2]  }
0x2e: {  	s3 =	simm.s32 @!p0 $0x1082;
	s9 =	sld [smem:$0x3FB3]  }
0x2f: {  	lr =	sadd.s32 s0, s3;
	s0 =	sld [smem:$0x3FAA]  }
0x30: {  	s3 =	sld [smem:$0x3FAD]  }
0x31: {  	[smem:$0x3FB6] =	sst s10  }
0x32: {  	s10 =	sld [smem:$0x3FB4];
	_ =	sdelay $0x3  }
0x33: {  	p0 =	seq.s32 s10, $0x1;
	s10 =	sld [smem:$0x3FB6];
	_ =	sdelay $0x3  }
0x34: {  	[smem:$0x3FB6] =	sst s10  }
0x35: {  	s10 =	sld [smem:$0x3FB5];
	_ =	sdelay $0x3  }
0x36: {  	p1 =	seq.s32 s10, $0x1;
	s10 =	sld [smem:$0x3FB6];
	_ =	sdelay $0x3  }
0x37: {  	[smem:$0x3FB6] =	sst s10  }
0x38: {  	s10 =	sld [smem:$0x3FB7]  }
0x39: {  	_ = 	snop;
	(pc) =	sbr.ind lr, $3  }
0x3a: {  	_ = 	snop  }
0x3b: {  	_ = 	snop  }
0x3c: {  	p2 =	seq.s32 s10, $0x1;
	s10 =	sld [smem:$0x3FB6]  }
0x3d: {  	_ =	shalt  }
0x3e: {  	_ =	shalt  }
0x3f: {  	_ =	shalt  }
0x40: {  	_ =	shalt  }
0x41: {  	_ =	shalt  }
0x42: {  	_ =	shalt  }
0x43: {  	_ =	shalt  }
0x44: {  	_ =	shalt  }
0x45: {  	_ =	shalt  }
0x46: {  	_ =	shalt  }
0x47: {  	_ =	shalt  }
0x48: {  	_ =	shalt  }
0x49: {  	_ =	shalt  }
0x4a: {  	_ =	shalt  }
0x4b: {  	_ =	shalt  }
0x4c: {  	_ =	shalt  }
0x4d: {  	_ =	shalt  }
0x4e: {  	_ =	shalt  }
0x4f: {  	_ =	shalt  }
0x50: {  	_ =	shalt  }
0x51: {  	_ =	shalt  }
0x52: {  	_ =	shalt  }
0x53: {  	_ =	shalt  }
0x54: {  	_ =	shalt  }
0x55: {  	_ =	shalt  }
0x56: {  	_ =	shalt  }
0x57: {  	_ =	shalt  }
0x58: {  	_ =	shalt  }
0x59: {  	_ =	shalt  }
0x5a: {  	_ =	shalt  }
0x5b: {  	_ =	shalt  }
0x5c: {  	_ =	shalt  }
0x5d: {  	_ =	shalt  }
0x5e: {  	_ =	shalt  }
0x5f: {  	_ =	shalt  }
0x60: {  	_ =	shalt  }
0x61: {  	_ =	shalt  }
0x62: {  	_ =	shalt  }
0x63: {  	_ =	shalt  }
0x64: {  	_ =	shalt  }
0x65: {  	_ =	shalt  }
0x66: {  	_ =	shalt  }
0x67: {  	_ =	shalt  }
0x68: {  	_ =	shalt  }
0x69: {  	_ =	shalt  }
0x6a: {  	_ =	shalt  }
0x6b: {  	_ =	shalt  }
0x6c: {  	_ =	shalt  }
0x6d: {  	_ =	shalt  }
0x6e: {  	_ =	shalt  }
0x6f: {  	_ =	shalt  }
0x70: {  	_ =	shalt  }
0x71: {  	_ =	shalt  }
0x72: {  	_ =	shalt  }
0x73: {  	_ =	shalt  }
0x74: {  	_ =	shalt  }
0x75: {  	_ =	shalt  }
0x76: {  	_ =	shalt  }
0x77: {  	_ =	shalt  }
0x78: {  	_ =	shalt  }
0x79: {  	_ =	shalt  }
0x7a: {  	_ =	shalt  }
0x7b: {  	_ =	shalt  }
0x7c: {  	_ =	shalt  }
0x7d: {  	_ =	shalt  }
0x7e: {  	_ =	shalt  }
0x7f: {  	_ =	shalt  }
0x80: {  	_ =	shalt  }
0x81: {  	_ =	shalt  }
0x82: {  	_ =	shalt  }
0x83: {  	_ =	shalt  }
0x84: {  	_ =	shalt  }
0x85: {  	_ =	shalt  }
0x86: {  	_ =	shalt  }
0x87: {  	_ =	shalt  }
.Lfunc_end0:
.L_simem_size_0:
called_computation_lowered:
.L_overlay_start_0:
0x88: {  	s2 =	sld [smem:$0x3FD9]  }
0x89: {  	s3 =	sld [smem:$0x3FFE];
	_ =	sdelay $0x1  }
0x8a: {  	s1 =	srdreg.scid  }
0x8b: {  	s0 =	sand.u32 $0x1, s1  }
0x8c: {  	s17 =	sshll.u32 s0, $0xA;
	s2 =	sadd.s32 s3, s2  }
0x8d: {  	s2 =	sadd.s32 s2, s17  }
0x8e: {  	[smem:$0x3FC2] =	sst s2  }
0x8f: {  	_ = 	snop  }
0x90: {  	s2 =	sld [smem:$0x3FD0];
	(tm) =	ssettm $0x1  }
0x91: {  	s18 =	sld [smem:$0x3FFB];
	_ =	sdelay $0x3  }
0x92: {  	_ =	strace s18  }
0x93: {  	s3 =	sld [smem:$0x3FFC];
	_ =	sdelay $0x3  }
0x94: {  	_ =	strace s3  }
0x95: {  	s3 =	sld [smem:$0x3FFD];
	_ =	sdelay $0x3  }
0x96: {  	_ =	strace s3  }
0x97: {  	_ =	strace $0x8FFFFFFF  }
0x98: {  	s19 =	sld [smem:$0x3FDB];
	_ =	sdelay $0x1  }
0x99: {  	s4 =	simm.s32 $_scs_section_size  }
0x9a: {  	s5 =	simm.s32 $_size__tile_overlayer_lowered;
	s6 =	simm.s32 $_tile_overlayer_lowered  }
0x9b: {  	s22 =	simm.s32 $0x1BFF;
	s21 =	sshll.u32 s6, $0x1;
	s3 =	sadd.s32 s4, s19  }
0x9c: {  	s7 =	simm.s32 $0x0;
	s20 =	sshll.u32 s5, $0x1;
	s5 =	sadd.s32 s21, s3  }
0x9d: {  	[timem:s7], [sflag:s22] =	dma.local [hbm:s5], s20  }
0x9e: {  	_ =	swait.ge [sflag:s22], s20  }
0x9f: {  	s4 =	ssub.s32 $0x0, s20;
	[sflag:s22] =	ssyncset.done $0x0  }
0xa0: {  	[sflag:s22] =	ssyncadd.s32 s4;
	_ =	sdelay $0x1  }
0xa1: {  	s23 =	simm.s32 $0x1B8B  }
0xa2: {  	_ =	swait.ge [sflag:s23], $0x1  }
0xa3: {  	[sflag:s23] =	ssyncset.done $0x0  }
0xa4: {  	s25 =	simm.s32 $0x1B8E;
	s24 =	sld [smem:$0x3FFE];
	[sflag:s23] =	ssyncadd.s32 $0xFFFFFFFF  }
0xa5: {  	s26 =	simm.s32 $execute0_lowered;
	[smem:$0x3FD2] =	sst s25  }
0xa6: {  	s5 =	sshll.u32 s26, $0x1;
	_ =	strace $0x80000046;
	[dreg:$0x1] =	wrdreg $0xFFFFFFFF  }
0xa7: {  	s28 =	simm.s32 $_size_execute0_lowered;
	s3 =	sadd.s32 s3, s5;
	[dreg:$0x0] =	wrdreg $0x0  }
0xa8: {  	s5 =	sshll.u32 s28, $0x1;
	[dreg:$0x2] =	wrdreg s3  }
0xa9: {  	[dreg:$0x3] =	wrdreg s5  }
0xaa: {  	[dreg:$0x4] =	wrdreg $0xC0  }
0xab: {  	_ =	task [dreg:s7], $0x5FFFF  }
0xac: {  	[dreg:$0x1] =	wrdreg $0xFFFFFFFF  }
0xad: {  	[dreg:$0x0] =	wrdreg $0x60  }
0xae: {  	[dreg:$0x2] =	wrdreg s2  }
0xaf: {  	[dreg:$0x3] =	wrdreg s24  }
0xb0: {  	[dreg:$0x4] =	wrdreg $0x9  }
0xb1: {  	_ =	task.clear_ibuf [dreg:s7], $0x5FFFF;
	_ =	strace $0x90000046  }
0xb2: {  	s29 =	simm.s32 $0x9;
	_ =	strace $0x80000048  }
0xb3: {  	_ =	swait.ge [sflag:s29], $0x1  }
0xb4: {  	[sflag:s29] =	ssyncadd.s32 $0xFFFFFFFF  }
0xb5: {  	_ =	strace $0x90000048  }
0xb6: {  	_ =	sfence  }
0xb7: {  	s30 =	sld [smem:$0x0];
	_ =	sdelay $0x2  }
0xb8: {  	s31 =	sshll.u32 s1, $0xD;
	s1 =	sshrl.u32 s1, $0x2  }
0xb9: {  	s3 =	sand.u32 $0x4000, s31;
	s1 =	sadd.s32 s1, s30  }
0xba: {  	s0 =	sor.u32 s3, s0;
	s1 =	sshll.u32 s1, $0x11  }
0xbb: {  	s0 =	sor.u32 s1, s0  }
0xbc: {  	s0 =	sadd.s32 $0x8F2B, s0  }
0xbd: {  	[sflag:s0] =	ssyncadd.remote.s32 $0x1  }
0xbe: {  	_ =	sfence.sel $0xFFFF  }
0xbf: {  	[dreg:$0x0] =	wrdreg $0xFFFFFFFF;
	(pc) =	sbr.abs _section_cstart, $3  }
0xc0: {  	[dreg:$0x1] =	wrdreg $0xFFFFFFFF  }
0xc1: {  	_ =	task.clear_ibuf [dreg:s7], $0x2FFFF;
	_ =	strace $0x9FFFFFFF  }
0xc2: {  	(tm) =	ssettm $0x7FFFFFFF  }
0xc3: {  	_ =	shalt  }
tec
execute0_lowered:
.L_overlay_start_1:
0x0: {  	(tag) =	ssettag $0x1  }
0x1: {  	s4 =	rddreg [dreg:$0x0]  }
0x2: {  	s6 =	rddreg [dreg:$0x1]  }
0x3: {  	s0 =	rddreg [dreg:$0x2]  }
0x4: {  	s3 =	srdreg.scid;
	s2 =	simm.s32 $0x0;
	s1 =	stileid.u32  }
0x5: {  	s13 =	simm.s32 $0x1880;
	s14 =	simm.s32 $0x2080;
	s15 =	simm.s32 $0x2880  }
0x6: {  	s16 =	simm.s32 $0x3080;
	s17 =	simm.s32 $0x3880;
	s18 =	simm.s32 $0x4080  }
0x7: {  	s19 =	simm.s32 $0x4880;
	s20 =	simm.s32 $0x5080;
	s21 =	simm.s32 $0x5880  }
0x8: {  	s22 =	simm.s32 $0x6080;
	s23 =	simm.s32 $0x6880;
	s24 =	simm.s32 $0x7080  }
0x9: {  	s25 =	simm.s32 $0x7880;
	s26 =	simm.s32 $0x1;
	s3 =	sand.u32 $0x1, s3  }
0xa: {  	[smem:$0x7FF] =	sst s2;
	s5 =	sshll.u32 s1, $0x7;
	s8 =	sadd.s32 $0x1E00, s6  }
0xb: {  	s7 =	sshll.u32 s3, $0x6;
	_ =	strace $0x80000047;
	s9 =	ssub.s32 $0x2, s3  }
0xc: {  	s3 =	sadd.s32 $0x2000, s6;
	s5 =	sor.u32 s7, s5;
	s11 =	sshrl.u32 s9, $0x1  }
0xd: {  	s6 =	sadd.s32 $0x2100, s6;
	s10 =	sshll.u32 s5, $0x1;
	s9 =	ssub.s32 s9, s11  }
0xe: {  	s5 =	sshll.u32 s5, $0x6;
	s11 =	simm.s32 $0x880;
	s12 =	sand.u32 $0xF00, s10  }
0xf: {  	s4 =	sadd.s32 s4, s5;
	s30 =	sor.u32 s7, s12;
	s7 =	sor.u32 s7, s10  }
0x10: {  	v2 =	vlaneseq.u32;
	s10 =	simm.s32 $0x2;
	s31 =	sshrl.u32 s30, $0x3;
	s7 =	sshrl.u32 s7, $0x3  }
0x11: {  	vm0 =	vmmov $0xffff;
	v1 =	vshrl.u32 v2, $0x3;
	s12 =	simm.s32 $0x1080;
	s5 =	sadd.s32 s8, s31;
	s7 =	sor.u32 $0x10, s7  }
0x12: {  	v0 =	vand.u32 $0x7, v2;
	v2 =	vor.u32 $0x8, v2;
	v1 =	vmul.u32 $0x8, v1;
	s7 =	sadd.s32 s8, s7;
	s8 =	smax.u32 s9, $0x1;
	s9 =	simm.s32 $0x80  }
.LBB2_1:
0x13: {  	[tilespmem:s9], [sflag:$0x2] =	stream.linear.gather [hbm4b:s4+s2], $0x8000, $0x38;
	[tilespmem:$0x8080] =	vst v63  }
0x14: {  	_ =	swait.ge [sflag:s10], $0x8000  }
0x15: {  	[sflag:s10] =	ssyncset.done $0x0  }
0x16: {  	[sflag:s10] =	ssyncadd.s32 $0xFFFF8000  }
0x17: {  	[tilespmem:s2], [sflag:$0x2] =	stream.linear.gather [hbm4b:s5+s2], $0x40, $0x38;
	[tilespmem:$0x8080] =	vst v63  }
0x18: {  	_ =	swait.ge [sflag:s10], $0x40  }
0x19: {  	[sflag:s10] =	ssyncset.done $0x0  }
0x1a: {  	[sflag:s10] =	ssyncadd.s32 $0xFFFFFFC0  }
0x1b: {  	v3 =	vld [tilespmem:$0x0];
	_ =	sdelay $0x4  }
0x1c: {  	v4 =	vshll.u32 v3, $0x2  }
0x1d: {  	v3 =	vand.u32 $0x7, v3;
	v4 =	vand.u32 $0xFFFFFFE0, v4  }
0x1e: {  	v3 =	vor.u32 v3, v4  }
0x1f: {  	v4 =	vperm.xlane v3, v0;
	_ =	sdelay $0x1  }
0x20: {  	v4 =	vadd.s32 v1, v4;
	_ =	sdelay $0x1  }
0x21: {  	v3 =	vperm.xlane v3, v2;
	_ =	sdelay $0x1  }
0x22: {  	v3 =	vadd.s32 v1, v3  }
0x23: {  	[hbm4b:s3+s2] =	stream.indirect_vreg.scatter [tilespmem:s9], [sflag:$0x1], $0x80, v4, vm0, $0xb8;
	[tilespmem:$0x8080] =	vst v63  }
0x24: {  	_ = 	snop  }
0x25: {  	[hbm4b:s6+s2] =	stream.indirect_vreg.scatter [tilespmem:s11], [sflag:$0x1], $0x80, v4, vm0, $0xb8;
	[tilespmem:$0x8080] =	vst v63  }
0x26: {  	_ = 	snop  }
0x27: {  	[hbm4b:s3+s2] =	stream.indirect_vreg.scatter [tilespmem:s12], [sflag:$0x1], $0x80, v3, vm0, $0xb8;
	[tilespmem:$0x8080] =	vst v63  }
0x28: {  	_ = 	snop  }
0x29: {  	[hbm4b:s6+s2] =	stream.indirect_vreg.scatter [tilespmem:s13], [sflag:$0x1], $0x80, v3, vm0, $0xb8;
	[tilespmem:$0x8080] =	vst v63  }
0x2a: {  	v3 =	vld [tilespmem:$0x10];
	_ =	sdelay $0x4  }
0x2b: {  	v57 =	vshll.u32 v3, $0x2  }
0x2c: {  	v3 =	vand.u32 $0x7, v3;
	v4 =	vand.u32 $0xFFFFFFE0, v57  }
0x2d: {  	v3 =	vor.u32 v3, v4  }
0x2e: {  	v4 =	vperm.xlane v3, v0;
	_ =	sdelay $0x1  }
0x2f: {  	v4 =	vadd.s32 v1, v4;
	_ =	sdelay $0x1  }
0x30: {  	v3 =	vperm.xlane v3, v2;
	_ =	sdelay $0x1  }
0x31: {  	v3 =	vadd.s32 v1, v3  }
0x32: {  	[hbm4b:s3+s2] =	stream.indirect_vreg.scatter [tilespmem:s14], [sflag:$0x1], $0x80, v4, vm0, $0xb8;
	[tilespmem:$0x8080] =	vst v63  }
0x33: {  	_ = 	snop  }
0x34: {  	[hbm4b:s6+s2] =	stream.indirect_vreg.scatter [tilespmem:s15], [sflag:$0x1], $0x80, v4, vm0, $0xb8;
	[tilespmem:$0x8080] =	vst v63  }
0x35: {  	_ = 	snop  }
0x36: {  	[hbm4b:s3+s2] =	stream.indirect_vreg.scatter [tilespmem:s16], [sflag:$0x1], $0x80, v3, vm0, $0xb8;
	[tilespmem:$0x8080] =	vst v63  }
0x37: {  	_ = 	snop  }
0x38: {  	[hbm4b:s6+s2] =	stream.indirect_vreg.scatter [tilespmem:s17], [sflag:$0x1], $0x80, v3, vm0, $0xb8;
	[tilespmem:$0x8080] =	vst v63  }
0x39: {  	v3 =	vld [tilespmem:$0x20];
	_ =	sdelay $0x4  }
0x3a: {  	v58 =	vshll.u32 v3, $0x2  }
0x3b: {  	v3 =	vand.u32 $0x7, v3;
	v4 =	vand.u32 $0xFFFFFFE0, v58  }
0x3c: {  	v3 =	vor.u32 v3, v4  }
0x3d: {  	v4 =	vperm.xlane v3, v0;
	_ =	sdelay $0x1  }
0x3e: {  	v4 =	vadd.s32 v1, v4;
	_ =	sdelay $0x1  }
0x3f: {  	v3 =	vperm.xlane v3, v2;
	_ =	sdelay $0x1  }
0x40: {  	v3 =	vadd.s32 v1, v3  }
0x41: {  	[hbm4b:s3+s2] =	stream.indirect_vreg.scatter [tilespmem:s18], [sflag:$0x1], $0x80, v4, vm0, $0xb8;
	[tilespmem:$0x8080] =	vst v63  }
0x42: {  	_ = 	snop  }
0x43: {  	[hbm4b:s6+s2] =	stream.indirect_vreg.scatter [tilespmem:s19], [sflag:$0x1], $0x80, v4, vm0, $0xb8;
	[tilespmem:$0x8080] =	vst v63  }
0x44: {  	_ = 	snop  }
0x45: {  	[hbm4b:s3+s2] =	stream.indirect_vreg.scatter [tilespmem:s20], [sflag:$0x1], $0x80, v3, vm0, $0xb8;
	[tilespmem:$0x8080] =	vst v63  }
0x46: {  	_ = 	snop  }
0x47: {  	[hbm4b:s6+s2] =	stream.indirect_vreg.scatter [tilespmem:s21], [sflag:$0x1], $0x80, v3, vm0, $0xb8;
	[tilespmem:$0x8080] =	vst v63  }
0x48: {  	v3 =	vld [tilespmem:$0x30];
	_ =	sdelay $0x4  }
0x49: {  	v59 =	vshll.u32 v3, $0x2  }
0x4a: {  	v3 =	vand.u32 $0x7, v3;
	v4 =	vand.u32 $0xFFFFFFE0, v59  }
0x4b: {  	v3 =	vor.u32 v3, v4  }
0x4c: {  	v4 =	vperm.xlane v3, v0;
	_ =	sdelay $0x1  }
0x4d: {  	v4 =	vadd.s32 v1, v4;
	_ =	sdelay $0x1  }
0x4e: {  	v3 =	vperm.xlane v3, v2;
	_ =	sdelay $0x1  }
0x4f: {  	v3 =	vadd.s32 v1, v3  }
0x50: {  	[hbm4b:s3+s2] =	stream.indirect_vreg.scatter [tilespmem:s22], [sflag:$0x1], $0x80, v4, vm0, $0xb8;
	[tilespmem:$0x8080] =	vst v63  }
0x51: {  	_ = 	snop  }
0x52: {  	[hbm4b:s6+s2] =	stream.indirect_vreg.scatter [tilespmem:s23], [sflag:$0x1], $0x80, v4, vm0, $0xb8;
	[tilespmem:$0x8080] =	vst v63  }
0x53: {  	_ = 	snop  }
0x54: {  	[hbm4b:s3+s2] =	stream.indirect_vreg.scatter [tilespmem:s24], [sflag:$0x1], $0x80, v3, vm0, $0xb8;
	[tilespmem:$0x8080] =	vst v63  }
0x55: {  	_ = 	snop  }
0x56: {  	[hbm4b:s6+s2] =	stream.indirect_vreg.scatter [tilespmem:s25], [sflag:$0x1], $0x80, v3, vm0, $0xb8;
	[tilespmem:$0x8080] =	vst v63  }
0x57: {  	_ =	swait.ge [sflag:s26], $0x8000  }
0x58: {  	[sflag:s26] =	ssyncset.done $0x0  }
0x59: {  	[sflag:s26] =	ssyncadd.s32 $0xFFFF8000  }
0x5a: {  	[tilespmem:s2], [sflag:$0x2] =	stream.linear.gather [hbm4b:s7+s2], $0x40, $0x38;
	[tilespmem:$0x8080] =	vst v63  }
0x5b: {  	_ =	swait.ge [sflag:s10], $0x40  }
0x5c: {  	[sflag:s10] =	ssyncset.done $0x0  }
0x5d: {  	[sflag:s10] =	ssyncadd.s32 $0xFFFFFFC0  }
0x5e: {  	v3 =	vld [tilespmem:$0x0];
	_ =	sdelay $0x4  }
0x5f: {  	v60 =	vshll.u32 v3, $0x2  }
0x60: {  	v3 =	vand.u32 $0x7, v3;
	v4 =	vand.u32 $0xFFFFFFE0, v60  }
0x61: {  	v3 =	vor.u32 v3, v4  }
0x62: {  	v4 =	vperm.xlane v3, v0;
	_ =	sdelay $0x1  }
0x63: {  	v4 =	vadd.s32 v1, v4;
	_ =	sdelay $0x1  }
0x64: {  	v3 =	vperm.xlane v3, v2;
	_ =	sdelay $0x1  }
0x65: {  	v3 =	vadd.s32 v1, v3  }
0x66: {  	[hbm4b:s3+s2] =	stream.indirect_vreg.scatter [tilespmem:s9], [sflag:$0x1], $0x80, v4, vm0, $0xb8;
	[tilespmem:$0x8080] =	vst v63  }
0x67: {  	_ = 	snop  }
0x68: {  	[hbm4b:s6+s2] =	stream.indirect_vreg.scatter [tilespmem:s11], [sflag:$0x1], $0x80, v4, vm0, $0xb8;
	[tilespmem:$0x8080] =	vst v63  }
0x69: {  	_ = 	snop  }
0x6a: {  	[hbm4b:s3+s2] =	stream.indirect_vreg.scatter [tilespmem:s12], [sflag:$0x1], $0x80, v3, vm0, $0xb8;
	[tilespmem:$0x8080] =	vst v63  }
0x6b: {  	_ = 	snop  }
0x6c: {  	[hbm4b:s6+s2] =	stream.indirect_vreg.scatter [tilespmem:s13], [sflag:$0x1], $0x80, v3, vm0, $0xb8;
	[tilespmem:$0x8080] =	vst v63  }
0x6d: {  	v3 =	vld [tilespmem:$0x10];
	_ =	sdelay $0x4  }
0x6e: {  	v61 =	vshll.u32 v3, $0x2  }
0x6f: {  	v3 =	vand.u32 $0x7, v3;
	v4 =	vand.u32 $0xFFFFFFE0, v61  }
0x70: {  	v3 =	vor.u32 v3, v4  }
0x71: {  	v4 =	vperm.xlane v3, v0;
	_ =	sdelay $0x1  }
0x72: {  	v4 =	vadd.s32 v1, v4;
	_ =	sdelay $0x1  }
0x73: {  	v3 =	vperm.xlane v3, v2;
	_ =	sdelay $0x1  }
0x74: {  	v3 =	vadd.s32 v1, v3  }
0x75: {  	[hbm4b:s3+s2] =	stream.indirect_vreg.scatter [tilespmem:s14], [sflag:$0x1], $0x80, v4, vm0, $0xb8;
	[tilespmem:$0x8080] =	vst v63  }
0x76: {  	_ = 	snop  }
0x77: {  	[hbm4b:s6+s2] =	stream.indirect_vreg.scatter [tilespmem:s15], [sflag:$0x1], $0x80, v4, vm0, $0xb8;
	[tilespmem:$0x8080] =	vst v63  }
0x78: {  	_ = 	snop  }
0x79: {  	[hbm4b:s3+s2] =	stream.indirect_vreg.scatter [tilespmem:s16], [sflag:$0x1], $0x80, v3, vm0, $0xb8;
	[tilespmem:$0x8080] =	vst v63  }
0x7a: {  	_ = 	snop  }
0x7b: {  	[hbm4b:s6+s2] =	stream.indirect_vreg.scatter [tilespmem:s17], [sflag:$0x1], $0x80, v3, vm0, $0xb8;
	[tilespmem:$0x8080] =	vst v63  }
0x7c: {  	v3 =	vld [tilespmem:$0x20];
	_ =	sdelay $0x4  }
0x7d: {  	v62 =	vshll.u32 v3, $0x2  }
0x7e: {  	v3 =	vand.u32 $0x7, v3;
	v4 =	vand.u32 $0xFFFFFFE0, v62  }
0x7f: {  	v3 =	vor.u32 v3, v4  }
0x80: {  	v4 =	vperm.xlane v3, v0;
	_ =	sdelay $0x1  }
0x81: {  	v4 =	vadd.s32 v1, v4;
	_ =	sdelay $0x1  }
0x82: {  	v3 =	vperm.xlane v3, v2;
	_ =	sdelay $0x1  }
0x83: {  	v3 =	vadd.s32 v1, v3  }
0x84: {  	[hbm4b:s3+s2] =	stream.indirect_vreg.scatter [tilespmem:s18], [sflag:$0x1], $0x80, v4, vm0, $0xb8;
	[tilespmem:$0x8080] =	vst v63  }
0x85: {  	_ = 	snop  }
0x86: {  	[hbm4b:s6+s2] =	stream.indirect_vreg.scatter [tilespmem:s19], [sflag:$0x1], $0x80, v4, vm0, $0xb8;
	[tilespmem:$0x8080] =	vst v63  }
0x87: {  	_ = 	snop  }
0x88: {  	[hbm4b:s3+s2] =	stream.indirect_vreg.scatter [tilespmem:s20], [sflag:$0x1], $0x80, v3, vm0, $0xb8;
	[tilespmem:$0x8080] =	vst v63  }
0x89: {  	_ = 	snop  }
0x8a: {  	[hbm4b:s6+s2] =	stream.indirect_vreg.scatter [tilespmem:s21], [sflag:$0x1], $0x80, v3, vm0, $0xb8;
	[tilespmem:$0x8080] =	vst v63  }
0x8b: {  	v3 =	vld [tilespmem:$0x30];
	_ =	sdelay $0x4  }
0x8c: {  	v63 =	vshll.u32 v3, $0x2  }
0x8d: {  	v3 =	vand.u32 $0x7, v3;
	v4 =	vand.u32 $0xFFFFFFE0, v63  }
0x8e: {  	v3 =	vor.u32 v3, v4  }
0x8f: {  	v4 =	vperm.xlane v3, v0;
	_ =	sdelay $0x1  }
0x90: {  	v4 =	vadd.s32 v1, v4;
	_ =	sdelay $0x1  }
0x91: {  	v3 =	vperm.xlane v3, v2;
	_ =	sdelay $0x1  }
0x92: {  	v3 =	vadd.s32 v1, v3  }
0x93: {  	[hbm4b:s3+s2] =	stream.indirect_vreg.scatter [tilespmem:s22], [sflag:$0x1], $0x80, v4, vm0, $0xb8;
	[tilespmem:$0x8080] =	vst v63  }
0x94: {  	_ = 	snop  }
0x95: {  	[hbm4b:s6+s2] =	stream.indirect_vreg.scatter [tilespmem:s23], [sflag:$0x1], $0x80, v4, vm0, $0xb8;
	[tilespmem:$0x8080] =	vst v63  }
0x96: {  	p0 =	sne.s32 s8, $0x1  }
0x97: {  	[hbm4b:s3+s2] =	stream.indirect_vreg.scatter [tilespmem:s24], [sflag:$0x1], $0x80, v3, vm0, $0xb8;
	[tilespmem:$0x8080] =	vst v63  }
.Ltmp0:
0x98: {  	_ = 	snop;
	(pc) =	sbr.rel @p0 .LBB2_1-.Ltmp0, $4  }
0x99: {  	[hbm4b:s6+s2] =	stream.indirect_vreg.scatter [tilespmem:s25], [sflag:$0x1], $0x80, v3, vm0, $0xb8;
	[tilespmem:$0x8080] =	vst v63  }
0x9a: {  	_ =	swait.ge [sflag:s26], $0x8000  }
0x9b: {  	[sflag:s26] =	ssyncset.done $0x0  }
0x9c: {  	s8 =	sadd.s32 $0xFFFFFFFF, s8;
	[sflag:s26] =	ssyncadd.s32 $0xFFFF8000  }
0x9d: {  	_ =	sfence.sel $0x180000  }
0x9e: {  	[bflag:$0x0] =	sbarrier.arrive $0xFFFF  }
0x9f: {  	p0 =	sne.s32 s1, $0x0;
	_ =	strace $0x90000047  }
0xa0: {  	s0 =	sadd.s32 @!p0 $0x100000, s0;
	[bflag:$0x2] =	sbarrier.arrive $0xFFFF  }
0xa1: {  	[sflag:s0] =	ssyncadd.tile.s32 @!p0 $0x1;
	_ =	shalt  }
.Lfunc_end2:
_tile_overlayer_lowered:
.L_overlay_start_2:
0xa2: {  	(tag) =	ssettag $0x2  }
0xa3: {  	s0 =	rddreg [dreg:$0x0];
	s2 =	stileid.u32  }
0xa4: {  	s1 =	rddreg [dreg:$0x1];
	p0 =	sne.s32 s2, $0x0  }
0xa5: {  	s3 =	rddreg [dreg:$0x2];
	[bflag:$0x3] =	sbarrier.arrive $0xFFFF;
	s2 =	simm.s32 @!p0 $0x1C02  }
0xa6: {  	[timem:s3], [sflag:s2] =	dma.local @!p0 [hbm:s0], s1  }
0xa7: {  	s0 =	simm.s32 @!p0 $0x2  }
0xa8: {  	_ =	swait.ge @!p0 [sflag:s0], s1  }
0xa9: {  	s1 =	ssub.s32 @!p0 $0x0, s1;
	[sflag:s0] =	ssyncset.done @!p0 $0x0  }
0xaa: {  	[sflag:s0] =	ssyncadd.s32 @!p0 s1  }
0xab: {  	[bflag:$0x3] =	sbarrier.arrive $0xFFFF  }
0xac: {  	_ =	shalt  }

</sc_bundles>
